<compile_context>
chip_gen: v7x
topology: tpu7x:2x2x1
jax: 0.10.2.dev20260603
libtpu: 0.0.44.dev20260713+nightly
codegen_flags: <defaults>
</compile_context>

<pallas_src>
import functools
import math

import jax
import jax.numpy as jnp
from jax import lax
from jax.experimental import pallas as pl
from jax.experimental.pallas import tpu as pltpu
from jax.experimental.pallas import tpu_sc as plsc

B = 4096
D = 128
D_IN = 7 * D + 4
NC = 2
NS = 16
NW = NC * NS
BPW = B // NW
NT = 7


def _sc_gather7(tables, idxs, base0, rows_n):
  bpw = rows_n // NW
  mesh = plsc.VectorSubcoreMesh(core_axis_name="c", subcore_axis_name="s")
  out_type = [jax.ShapeDtypeStruct((rows_n, D), jnp.float32)
              for _ in range(NT)]
  scratch = [
      pltpu.VMEM((NT, bpw), jnp.int32),
      pltpu.VMEM((bpw, D), jnp.float32),
      pltpu.VMEM((bpw, D), jnp.float32),
      pltpu.SemaphoreType.DMA,
      pltpu.SemaphoreType.DMA,
      pltpu.SemaphoreType.DMA,
      pltpu.SemaphoreType.DMA,
      pltpu.SemaphoreType.DMA,
  ]

  @functools.partial(pl.kernel, mesh=mesh, out_type=out_type,
                     scratch_types=scratch)
  def k(*refs):
    t_refs = refs[0:NT]
    i_refs = refs[NT:2 * NT]
    o_refs = refs[2 * NT:3 * NT]
    idx_v, rows0, rows1, g0, g1, w0, w1, isem = refs[3 * NT:]
    rows = (rows0, rows1)
    gsem = (g0, g1)
    wsem = (w0, w1)
    wid = lax.axis_index("s") * NC + lax.axis_index("c")
    obase = wid * bpw
    ibase = base0 + obase
    ics = [pltpu.async_copy(i_refs[t].at[pl.ds(ibase, bpw)], idx_v.at[t],
                            isem) for t in range(NT)]
    ics[0].wait()
    g_prev = pltpu.async_copy(t_refs[0].at[idx_v.at[0]], rows[0], gsem[0])
    wb = [None, None]
    for t in range(1, NT):
      b = t % 2
      ics[t].wait()
      if wb[b] is not None:
        wb[b].wait()
      g_cur = pltpu.async_copy(t_refs[t].at[idx_v.at[t]], rows[b], gsem[b])
      g_prev.wait()
      wb[1 - b] = pltpu.async_copy(rows[1 - b],
                                   o_refs[t - 1].at[pl.ds(obase, bpw)],
                                   wsem[1 - b])
      g_prev = g_cur
    g_prev.wait()
    wb[(NT - 2) % 2].wait()
    pltpu.sync_copy(rows[(NT - 1) % 2], o_refs[NT - 1].at[pl.ds(obase, bpw)])

  return k(*tables, *idxs)


_NUM_MEAN = (234823.14, 10.85, 16.08, 43337.77)
_NUM_VAR = (5558806228.41, 202.18, 300.64, 377777790193.57)


def _tc_body(e1, e2, e3, e4, e5, e6, e7, nums, v_r, u_r, bc_r,
             w1_r, b1_r, w2_r, b2_r, w3_r, b3_r, out_r):
  n = nums[...]
  ncols = [(n[:, j:j + 1] - _NUM_MEAN[j]) * (1.0 / math.sqrt(_NUM_VAR[j]))
           for j in range(4)]
  x0 = jnp.concatenate(
      [e1[...], e2[...], e3[...], e4[...], e5[...], e6[...]] + ncols +
      [e7[...]], axis=1)
  t = jnp.dot(x0, v_r[...], preferred_element_type=jnp.float32)
  proj = jnp.dot(t, u_r[...],
                 preferred_element_type=jnp.float32) + bc_r[...]
  cross = x0 * proj + x0
  h = jnp.dot(cross, w1_r[...],
              preferred_element_type=jnp.float32) + b1_r[...]
  h = jnp.maximum(h, 0.0)
  h = jnp.dot(h, w2_r[...], preferred_element_type=jnp.float32) + b2_r[...]
  h = jnp.maximum(h, 0.0)
  out_r[...] = jnp.dot(h, w3_r[...],
                       preferred_element_type=jnp.float32) + b3_r[...]


def _tc_tower(es, nums, v2, u2, bc2, w12, b1, w2, b2, w3, b3):
  rows_n = es[0].shape[0]
  bb = 1024
  grid = (rows_n // bb,)

  def blk(shape):
    return pl.BlockSpec(shape, lambda i: (0,) * len(shape))

  in_specs = (
      [pl.BlockSpec((bb, D), lambda i: (i, 0)) for _ in range(NT)] +
      [pl.BlockSpec((bb, 4), lambda i: (i, 0))] +
      [blk(v2.shape), blk(u2.shape), blk(bc2.shape), blk(w12.shape),
       blk(b1.shape), blk(w2.shape), blk(b2.shape), blk(w3.shape),
       blk(b3.shape)])
  return pl.pallas_call(
      _tc_body,
      grid=grid,
      in_specs=in_specs,
      out_specs=pl.BlockSpec((bb, 128), lambda i: (i, 0)),
      out_shape=jax.ShapeDtypeStruct((rows_n, 128), jnp.float32),
  )(*es, nums, v2, u2, bc2, w12, b1, w2, b2, w3, b3)


def kernel(artist_name_can, track_name_can, album_name_can, artist_uri_can,
           track_uri_can, album_uri_can, artist_genres_can,
           duration_ms_can, track_pop_can, artist_pop_can, artist_followers_can,
           T_artist_name, T_track_name, T_album_name, T_artist_uri,
           T_track_uri, T_album_uri, T_artist_genres,
           V, U, bc, W1, b1, W2, b2, W3, b3):
  idxs = [a.astype(jnp.int32) for a in (
      artist_name_can, track_name_can, album_name_can, artist_uri_can,
      track_uri_can, album_uri_can, artist_genres_can)]
  tables = [T_artist_name, T_track_name, T_album_name, T_artist_uri,
            T_track_uri, T_album_uri, T_artist_genres]
  nums = jnp.stack([duration_ms_can, track_pop_can, artist_pop_can,
                    artist_followers_can], axis=1)
  es = _sc_gather7(tables, idxs, 0, B)
  return _tc_tower(es, nums, V, U, bc.reshape(1, D_IN), W1,
                   b1.reshape(1, -1), W2, b2.reshape(1, -1), W3,
                   b3.reshape(1, -1))

# --- scband reference (transcript-rebuilt; emitter-appended) ---
"""Pipeline reference for scband-candidate-track-model-27900107555447 (READ-ONLY COPY).

The authoritative reference and input builder live on the scoring server;
editing this copy changes nothing except your own understanding.
"""

import jax, jax.numpy as jnp
import numpy as np

B = 4096
D = 128
D_IN = 7 * D + 4  # 900


def setup_inputs(seed: int = 0) -> dict:
    key = jax.random.key(seed)
    ks = jax.random.split(key, 32)
    inp = {}
    # categorical features: Hashing layer output simulated as in-range bucket ids
    inp['artist_name_can'] = jax.random.randint(ks[0], (B,), 0, 200000)
    inp['track_name_can'] = jax.random.randint(ks[1], (B,), 0, 200000)
    inp['album_name_can'] = jax.random.randint(ks[2], (B,), 0, 200000)
    inp['artist_uri_can'] = jax.random.randint(ks[3], (B,), 0, 200000)
    inp['track_uri_can'] = jax.random.randint(ks[4], (B,), 0, 2262292)
    inp['album_uri_can'] = jax.random.randint(ks[5], (B,), 0, 734684)
    inp['artist_genres_can'] = jax.random.randint(ks[6], (B,), 0, 200000)
    # numeric features, roughly matching Normalization layer stats
    inp['duration_ms_can'] = 234823.14 + 74557.0 * jax.random.normal(ks[7], (B,), dtype=jnp.float32)
    inp['track_pop_can'] = 10.85 + 14.22 * jax.random.normal(ks[8], (B,), dtype=jnp.float32)
    inp['artist_pop_can'] = 16.08 + 17.34 * jax.random.normal(ks[9], (B,), dtype=jnp.float32)
    inp['artist_followers_can'] = jnp.abs(43337.77 + 614636.0 * jax.random.normal(ks[10], (B,), dtype=jnp.float32))
    # embedding tables (num_bins + 1 rows, as in the Keras module)
    inp['T_artist_name'] = 0.05 * jax.random.normal(ks[11], (200001, D), dtype=jnp.float32)
    inp['T_track_name'] = 0.05 * jax.random.normal(ks[12], (200001, D), dtype=jnp.float32)
    inp['T_album_name'] = 0.05 * jax.random.normal(ks[13], (200001, D), dtype=jnp.float32)
    inp['T_artist_uri'] = 0.05 * jax.random.normal(ks[14], (200001, D), dtype=jnp.float32)
    inp['T_track_uri'] = 0.05 * jax.random.normal(ks[15], (2262293, D), dtype=jnp.float32)
    inp['T_album_uri'] = 0.05 * jax.random.normal(ks[16], (734685, D), dtype=jnp.float32)
    inp['T_artist_genres'] = 0.05 * jax.random.normal(ks[17], (200001, D), dtype=jnp.float32)
    # DCN cross layer with projection_dim=100
    inp['V'] = 0.02 * jax.random.normal(ks[18], (D_IN, 100), dtype=jnp.float32)
    inp['U'] = 0.02 * jax.random.normal(ks[19], (100, D_IN), dtype=jnp.float32)
    inp['bc'] = jnp.zeros((D_IN,), dtype=jnp.float32)
    # dense tower [512, 256, 128]
    inp['W1'] = 0.02 * jax.random.normal(ks[20], (D_IN, 512), dtype=jnp.float32)
    inp['b1'] = jnp.zeros((512,), dtype=jnp.float32)
    inp['W2'] = 0.02 * jax.random.normal(ks[21], (512, 256), dtype=jnp.float32)
    inp['b2'] = jnp.zeros((256,), dtype=jnp.float32)
    inp['W3'] = 0.02 * jax.random.normal(ks[22], (256, 128), dtype=jnp.float32)
    inp['b3'] = jnp.zeros((128,), dtype=jnp.float32)
    return inp


def _norm(x, mean, var):
    return (x - mean) / jnp.sqrt(var)


def reference(artist_name_can, track_name_can, album_name_can, artist_uri_can,
              track_uri_can, album_uri_can, artist_genres_can,
              duration_ms_can, track_pop_can, artist_pop_can, artist_followers_can,
              T_artist_name, T_track_name, T_album_name, T_artist_uri,
              T_track_uri, T_album_uri, T_artist_genres,
              V, U, bc, W1, b1, W2, b2, W3, b3):
    e_artist_name = jnp.take(T_artist_name, artist_name_can, axis=0)
    e_track_name = jnp.take(T_track_name, track_name_can, axis=0)
    e_album_name = jnp.take(T_album_name, album_name_can, axis=0)
    e_artist_uri = jnp.take(T_artist_uri, artist_uri_can, axis=0)
    e_track_uri = jnp.take(T_track_uri, track_uri_can, axis=0)
    e_album_uri = jnp.take(T_album_uri, album_uri_can, axis=0)
    e_artist_genres = jnp.take(T_artist_genres, artist_genres_can, axis=0)
    dur = _norm(duration_ms_can, 234823.14, 5558806228.41).reshape(-1, 1)
    tpop = _norm(track_pop_can, 10.85, 202.18).reshape(-1, 1)
    apop = _norm(artist_pop_can, 16.08, 300.64).reshape(-1, 1)
    afol = _norm(artist_followers_can, 43337.77, 377777790193.57).reshape(-1, 1)
    all_embs = jnp.concatenate([
        e_artist_name, e_track_name, e_album_name,
        e_artist_uri, e_track_uri, e_album_uri,
        dur, tpop, apop, afol,
        e_artist_genres], axis=1)
    # tfrs Cross layer (x == x0 for single layer): x0 * (U(V x) + b) + x
    x0 = all_embs
    proj = jnp.dot(jnp.dot(x0, V), U) + bc
    cross = x0 * proj + x0
    # dense tower; Dropout is identity at inference
    h = jax.nn.relu(jnp.dot(cross, W1) + b1)
    h = jax.nn.relu(jnp.dot(h, W2) + b2)
    out = jnp.dot(h, W3) + b3
    return out

if __name__ == "__main__":
    import jax
    _d = setup_inputs()
    print(jax.jit(kernel)(*tuple(_d.values())))

</pallas_src>

<mosaic_0001>
#map = affine_map<(d0, d1) -> (0, 0)>
#map1 = affine_map<(d0, d1) -> (0)>
module attributes {stable_mosaic.version = 14 : i64} {
  func.func @k(%arg0: i32, %arg1: i32, %arg2: memref<200001x128xf32, #tpu.memory_space<hbm>>, %arg3: memref<200001x128xf32, #tpu.memory_space<hbm>>, %arg4: memref<200001x128xf32, #tpu.memory_space<hbm>>, %arg5: memref<200001x128xf32, #tpu.memory_space<hbm>>, %arg6: memref<2262293x128xf32, #tpu.memory_space<hbm>>, %arg7: memref<734685x128xf32, #tpu.memory_space<hbm>>, %arg8: memref<200001x128xf32, #tpu.memory_space<hbm>>, %arg9: memref<4096xi32, #tpu.memory_space<hbm>>, %arg10: memref<4096xi32, #tpu.memory_space<hbm>>, %arg11: memref<4096xi32, #tpu.memory_space<hbm>>, %arg12: memref<4096xi32, #tpu.memory_space<hbm>>, %arg13: memref<4096xi32, #tpu.memory_space<hbm>>, %arg14: memref<4096xi32, #tpu.memory_space<hbm>>, %arg15: memref<4096xi32, #tpu.memory_space<hbm>>, %arg16: memref<4096x128xf32, #tpu.memory_space<hbm>>, %arg17: memref<4096x128xf32, #tpu.memory_space<hbm>>, %arg18: memref<4096x128xf32, #tpu.memory_space<hbm>>, %arg19: memref<4096x128xf32, #tpu.memory_space<hbm>>, %arg20: memref<4096x128xf32, #tpu.memory_space<hbm>>, %arg21: memref<4096x128xf32, #tpu.memory_space<hbm>>, %arg22: memref<4096x128xf32, #tpu.memory_space<hbm>>, %arg23: memref<7x128xi32, #tpu.memory_space<vmem>>, %arg24: memref<128x128xf32, #tpu.memory_space<vmem>>, %arg25: memref<128x128xf32, #tpu.memory_space<vmem>>, %arg26: memref<!tpu.dma_semaphore, #tpu.memory_space<semaphore_mem>>, %arg27: memref<!tpu.dma_semaphore, #tpu.memory_space<semaphore_mem>>, %arg28: memref<!tpu.dma_semaphore, #tpu.memory_space<semaphore_mem>>, %arg29: memref<!tpu.dma_semaphore, #tpu.memory_space<semaphore_mem>>, %arg30: memref<!tpu.dma_semaphore, #tpu.memory_space<semaphore_mem>>) attributes {dimension_semantics = [#tpu.dimension_semantics<core_parallel>, #tpu.dimension_semantics<subcore_parallel>], iteration_bounds = array<i64: 2, 16>, scalar_prefetch = 0 : i64, scratch_operands = 8 : i64, tpu.core_type = #tpu.core_type<sc_vector_subcore>, window_params = [{transform_indices = #map}, {transform_indices = #map}, {transform_indices = #map}, {transform_indices = #map}, {transform_indices = #map}, {transform_indices = #map}, {transform_indices = #map}, {transform_indices = #map1}, {transform_indices = #map1}, {transform_indices = #map1}, {transform_indices = #map1}, {transform_indices = #map1}, {transform_indices = #map1}, {transform_indices = #map1}, {transform_indices = #map}, {transform_indices = #map}, {transform_indices = #map}, {transform_indices = #map}, {transform_indices = #map}, {transform_indices = #map}, {transform_indices = #map}]} {
    %mul3A = arith.constant 2 : i32
    %mul3A_0 = arith.muli %arg1, %mul3A : i32
    %add3A = arith.addi %mul3A_0, %arg0 : i32
    %mul3A_1 = arith.constant 128 : i32
    %mul3A_2 = arith.muli %add3A, %mul3A_1 : i32
    %add3A_3 = arith.constant 0 : i32
    %add3A_4 = arith.addi %add3A_3, %mul3A_2 : i32
    %dma_start3A = arith.constant 0 : i32
    %dma_start3A_5 = arith.constant 0 : i32
    %dma_start3A_6 = tpu.memref_slice %arg23[%dma_start3A, %dma_start3A_5] : memref<7x128xi32, #tpu.memory_space<vmem>> -> memref<1x128xi32, #tpu.memory_space<vmem>>
    %dma_start3A_7 = tpu.memref_squeeze %dma_start3A_6 : memref<1x128xi32, #tpu.memory_space<vmem>> -> memref<128xi32, #tpu.memory_space<vmem>>
    %dma_start3A_8 = tpu.memref_slice %arg9[%add3A_4] : memref<4096xi32, #tpu.memory_space<hbm>> -> memref<128xi32, #tpu.memory_space<hbm>>
    %dma_start3A_9 = arith.constant 0 : i32
    %dma_start3A_10 = tpu.memref_slice %arg23[%dma_start3A, %dma_start3A_9] : memref<7x128xi32, #tpu.memory_space<vmem>> -> memref<1x128xi32, #tpu.memory_space<vmem>>
    %dma_start3A_11 = tpu.memref_squeeze %dma_start3A_10 : memref<1x128xi32, #tpu.memory_space<vmem>> -> memref<128xi32, #tpu.memory_space<vmem>>
    %dma_start3A_12 = tpu.memref_slice %arg9[%add3A_4] : memref<4096xi32, #tpu.memory_space<hbm>> -> memref<128xi32, #tpu.memory_space<hbm>>
    tpu.enqueue_dma source(%dma_start3A_12 : memref<128xi32, #tpu.memory_space<hbm>>) target(%dma_start3A_11 : memref<128xi32, #tpu.memory_space<vmem>>) target_semaphore(%arg30 : memref<!tpu.dma_semaphore, #tpu.memory_space<semaphore_mem>>)
    %dma_start3A_13 = arith.constant 1 : i32
    %dma_start3A_14 = arith.constant 0 : i32
    %dma_start3A_15 = tpu.memref_slice %arg23[%dma_start3A_13, %dma_start3A_14] : memref<7x128xi32, #tpu.memory_space<vmem>> -> memref<1x128xi32, #tpu.memory_space<vmem>>
    %dma_start3A_16 = tpu.memref_squeeze %dma_start3A_15 : memref<1x128xi32, #tpu.memory_space<vmem>> -> memref<128xi32, #tpu.memory_space<vmem>>
    %dma_start3A_17 = tpu.memref_slice %arg10[%add3A_4] : memref<4096xi32, #tpu.memory_space<hbm>> -> memref<128xi32, #tpu.memory_space<hbm>>
    %dma_start3A_18 = arith.constant 0 : i32
    %dma_start3A_19 = tpu.memref_slice %arg23[%dma_start3A_13, %dma_start3A_18] : memref<7x128xi32, #tpu.memory_space<vmem>> -> memref<1x128xi32, #tpu.memory_space<vmem>>
    %dma_start3A_20 = tpu.memref_squeeze %dma_start3A_19 : memref<1x128xi32, #tpu.memory_space<vmem>> -> memref<128xi32, #tpu.memory_space<vmem>>
    %dma_start3A_21 = tpu.memref_slice %arg10[%add3A_4] : memref<4096xi32, #tpu.memory_space<hbm>> -> memref<128xi32, #tpu.memory_space<hbm>>
    tpu.enqueue_dma source(%dma_start3A_21 : memref<128xi32, #tpu.memory_space<hbm>>) target(%dma_start3A_20 : memref<128xi32, #tpu.memory_space<vmem>>) target_semaphore(%arg30 : memref<!tpu.dma_semaphore, #tpu.memory_space<semaphore_mem>>)
    %dma_start3A_22 = arith.constant 2 : i32
    %dma_start3A_23 = arith.constant 0 : i32
    %dma_start3A_24 = tpu.memref_slice %arg23[%dma_start3A_22, %dma_start3A_23] : memref<7x128xi32, #tpu.memory_space<vmem>> -> memref<1x128xi32, #tpu.memory_space<vmem>>
    %dma_start3A_25 = tpu.memref_squeeze %dma_start3A_24 : memref<1x128xi32, #tpu.memory_space<vmem>> -> memref<128xi32, #tpu.memory_space<vmem>>
    %dma_start3A_26 = tpu.memref_slice %arg11[%add3A_4] : memref<4096xi32, #tpu.memory_space<hbm>> -> memref<128xi32, #tpu.memory_space<hbm>>
    %dma_start3A_27 = arith.constant 0 : i32
    %dma_start3A_28 = tpu.memref_slice %arg23[%dma_start3A_22, %dma_start3A_27] : memref<7x128xi32, #tpu.memory_space<vmem>> -> memref<1x128xi32, #tpu.memory_space<vmem>>
    %dma_start3A_29 = tpu.memref_squeeze %dma_start3A_28 : memref<1x128xi32, #tpu.memory_space<vmem>> -> memref<128xi32, #tpu.memory_space<vmem>>
    %dma_start3A_30 = tpu.memref_slice %arg11[%add3A_4] : memref<4096xi32, #tpu.memory_space<hbm>> -> memref<128xi32, #tpu.memory_space<hbm>>
    tpu.enqueue_dma source(%dma_start3A_30 : memref<128xi32, #tpu.memory_space<hbm>>) target(%dma_start3A_29 : memref<128xi32, #tpu.memory_space<vmem>>) target_semaphore(%arg30 : memref<!tpu.dma_semaphore, #tpu.memory_space<semaphore_mem>>)
    %dma_start3A_31 = arith.constant 3 : i32
    %dma_start3A_32 = arith.constant 0 : i32
    %dma_start3A_33 = tpu.memref_slice %arg23[%dma_start3A_31, %dma_start3A_32] : memref<7x128xi32, #tpu.memory_space<vmem>> -> memref<1x128xi32, #tpu.memory_space<vmem>>
    %dma_start3A_34 = tpu.memref_squeeze %dma_start3A_33 : memref<1x128xi32, #tpu.memory_space<vmem>> -> memref<128xi32, #tpu.memory_space<vmem>>
    %dma_start3A_35 = tpu.memref_slice %arg12[%add3A_4] : memref<4096xi32, #tpu.memory_space<hbm>> -> memref<128xi32, #tpu.memory_space<hbm>>
    %dma_start3A_36 = arith.constant 0 : i32
    %dma_start3A_37 = tpu.memref_slice %arg23[%dma_start3A_31, %dma_start3A_36] : memref<7x128xi32, #tpu.memory_space<vmem>> -> memref<1x128xi32, #tpu.memory_space<vmem>>
    %dma_start3A_38 = tpu.memref_squeeze %dma_start3A_37 : memref<1x128xi32, #tpu.memory_space<vmem>> -> memref<128xi32, #tpu.memory_space<vmem>>
    %dma_start3A_39 = tpu.memref_slice %arg12[%add3A_4] : memref<4096xi32, #tpu.memory_space<hbm>> -> memref<128xi32, #tpu.memory_space<hbm>>
    tpu.enqueue_dma source(%dma_start3A_39 : memref<128xi32, #tpu.memory_space<hbm>>) target(%dma_start3A_38 : memref<128xi32, #tpu.memory_space<vmem>>) target_semaphore(%arg30 : memref<!tpu.dma_semaphore, #tpu.memory_space<semaphore_mem>>)
    %dma_start3A_40 = arith.constant 4 : i32
    %dma_start3A_41 = arith.constant 0 : i32
    %dma_start3A_42 = tpu.memref_slice %arg23[%dma_start3A_40, %dma_start3A_41] : memref<7x128xi32, #tpu.memory_space<vmem>> -> memref<1x128xi32, #tpu.memory_space<vmem>>
    %dma_start3A_43 = tpu.memref_squeeze %dma_start3A_42 : memref<1x128xi32, #tpu.memory_space<vmem>> -> memref<128xi32, #tpu.memory_space<vmem>>
    %dma_start3A_44 = tpu.memref_slice %arg13[%add3A_4] : memref<4096xi32, #tpu.memory_space<hbm>> -> memref<128xi32, #tpu.memory_space<hbm>>
    %dma_start3A_45 = arith.constant 0 : i32
    %dma_start3A_46 = tpu.memref_slice %arg23[%dma_start3A_40, %dma_start3A_45] : memref<7x128xi32, #tpu.memory_space<vmem>> -> memref<1x128xi32, #tpu.memory_space<vmem>>
    %dma_start3A_47 = tpu.memref_squeeze %dma_start3A_46 : memref<1x128xi32, #tpu.memory_space<vmem>> -> memref<128xi32, #tpu.memory_space<vmem>>
    %dma_start3A_48 = tpu.memref_slice %arg13[%add3A_4] : memref<4096xi32, #tpu.memory_space<hbm>> -> memref<128xi32, #tpu.memory_space<hbm>>
    tpu.enqueue_dma source(%dma_start3A_48 : memref<128xi32, #tpu.memory_space<hbm>>) target(%dma_start3A_47 : memref<128xi32, #tpu.memory_space<vmem>>) target_semaphore(%arg30 : memref<!tpu.dma_semaphore, #tpu.memory_space<semaphore_mem>>)
    %dma_start3A_49 = arith.constant 5 : i32
    %dma_start3A_50 = arith.constant 0 : i32
    %dma_start3A_51 = tpu.memref_slice %arg23[%dma_start3A_49, %dma_start3A_50] : memref<7x128xi32, #tpu.memory_space<vmem>> -> memref<1x128xi32, #tpu.memory_space<vmem>>
    %dma_start3A_52 = tpu.memref_squeeze %dma_start3A_51 : memref<1x128xi32, #tpu.memory_space<vmem>> -> memref<128xi32, #tpu.memory_space<vmem>>
    %dma_start3A_53 = tpu.memref_slice %arg14[%add3A_4] : memref<4096xi32, #tpu.memory_space<hbm>> -> memref<128xi32, #tpu.memory_space<hbm>>
    %dma_start3A_54 = arith.constant 0 : i32
    %dma_start3A_55 = tpu.memref_slice %arg23[%dma_start3A_49, %dma_start3A_54] : memref<7x128xi32, #tpu.memory_space<vmem>> -> memref<1x128xi32, #tpu.memory_space<vmem>>
    %dma_start3A_56 = tpu.memref_squeeze %dma_start3A_55 : memref<1x128xi32, #tpu.memory_space<vmem>> -> memref<128xi32, #tpu.memory_space<vmem>>
    %dma_start3A_57 = tpu.memref_slice %arg14[%add3A_4] : memref<4096xi32, #tpu.memory_space<hbm>> -> memref<128xi32, #tpu.memory_space<hbm>>
    tpu.enqueue_dma source(%dma_start3A_57 : memref<128xi32, #tpu.memory_space<hbm>>) target(%dma_start3A_56 : memref<128xi32, #tpu.memory_space<vmem>>) target_semaphore(%arg30 : memref<!tpu.dma_semaphore, #tpu.memory_space<semaphore_mem>>)
    %dma_start3A_58 = arith.constant 6 : i32
    %dma_start3A_59 = arith.constant 0 : i32
    %dma_start3A_60 = tpu.memref_slice %arg23[%dma_start3A_58, %dma_start3A_59] : memref<7x128xi32, #tpu.memory_space<vmem>> -> memref<1x128xi32, #tpu.memory_space<vmem>>
    %dma_start3A_61 = tpu.memref_squeeze %dma_start3A_60 : memref<1x128xi32, #tpu.memory_space<vmem>> -> memref<128xi32, #tpu.memory_space<vmem>>
    %dma_start3A_62 = tpu.memref_slice %arg15[%add3A_4] : memref<4096xi32, #tpu.memory_space<hbm>> -> memref<128xi32, #tpu.memory_space<hbm>>
    %dma_start3A_63 = arith.constant 0 : i32
    %dma_start3A_64 = tpu.memref_slice %arg23[%dma_start3A_58, %dma_start3A_63] : memref<7x128xi32, #tpu.memory_space<vmem>> -> memref<1x128xi32, #tpu.memory_space<vmem>>
    %dma_start3A_65 = tpu.memref_squeeze %dma_start3A_64 : memref<1x128xi32, #tpu.memory_space<vmem>> -> memref<128xi32, #tpu.memory_space<vmem>>
    %dma_start3A_66 = tpu.memref_slice %arg15[%add3A_4] : memref<4096xi32, #tpu.memory_space<hbm>> -> memref<128xi32, #tpu.memory_space<hbm>>
    tpu.enqueue_dma source(%dma_start3A_66 : memref<128xi32, #tpu.memory_space<hbm>>) target(%dma_start3A_65 : memref<128xi32, #tpu.memory_space<vmem>>) target_semaphore(%arg30 : memref<!tpu.dma_semaphore, #tpu.memory_space<semaphore_mem>>)
    %dma_wait3A = arith.constant 0 : i32
    %dma_wait3A_67 = arith.constant 0 : i32
    %dma_wait3A_68 = tpu.memref_slice %arg23[%dma_wait3A, %dma_wait3A_67] : memref<7x128xi32, #tpu.memory_space<vmem>> -> memref<1x128xi32, #tpu.memory_space<vmem>>
    %dma_wait3A_69 = tpu.memref_squeeze %dma_wait3A_68 : memref<1x128xi32, #tpu.memory_space<vmem>> -> memref<128xi32, #tpu.memory_space<vmem>>
    %dma_wait3A_70 = tpu.memref_slice %arg9[%add3A_4] : memref<4096xi32, #tpu.memory_space<hbm>> -> memref<128xi32, #tpu.memory_space<hbm>>
    %dma_wait3A_71 = arith.constant 0 : i32
    %dma_wait3A_72 = tpu.memref_slice %arg23[%dma_wait3A, %dma_wait3A_71] : memref<7x128xi32, #tpu.memory_space<vmem>> -> memref<1x128xi32, #tpu.memory_space<vmem>>
    %dma_wait3A_73 = tpu.memref_squeeze %dma_wait3A_72 : memref<1x128xi32, #tpu.memory_space<vmem>> -> memref<128xi32, #tpu.memory_space<vmem>>
    %dma_wait3A_74 = tpu.memref_slice %arg9[%add3A_4] : memref<4096xi32, #tpu.memory_space<hbm>> -> memref<128xi32, #tpu.memory_space<hbm>>
    tpu.wait_dma2 semaphore(%arg30 : memref<!tpu.dma_semaphore, #tpu.memory_space<semaphore_mem>>) src(%dma_wait3A_74 : memref<128xi32, #tpu.memory_space<hbm>>) dst(%dma_wait3A_73 : memref<128xi32, #tpu.memory_space<vmem>>)
    %dma_start3A_75 = arith.constant 0 : i32
    %dma_start3A_76 = arith.constant 0 : i32
    %dma_start3A_77 = tpu.memref_slice %arg23[%dma_start3A_75, %dma_start3A_76] : memref<7x128xi32, #tpu.memory_space<vmem>> -> memref<1x128xi32, #tpu.memory_space<vmem>>
    %dma_start3A_78 = tpu.memref_squeeze %dma_start3A_77 : memref<1x128xi32, #tpu.memory_space<vmem>> -> memref<128xi32, #tpu.memory_space<vmem>>
    %dma_start3A_79 = arith.constant 0 : i32
    %dma_start3A_80 = arith.constant 0 : i32
    %dma_start3A_81 = tpu.memref_slice %arg2[%dma_start3A_79, %dma_start3A_80] : memref<200001x128xf32, #tpu.memory_space<hbm>> -> memref<200001x128xf32, #tpu.memory_space<hbm>>
    tpu.enqueue_indirect_dma source(%dma_start3A_81 : memref<200001x128xf32, #tpu.memory_space<hbm>>) target(%arg24 : memref<128x128xf32, #tpu.memory_space<vmem>>) offsets(%dma_start3A_78 : memref<128xi32, #tpu.memory_space<vmem>>) semaphore(%arg26 : memref<!tpu.dma_semaphore, #tpu.memory_space<semaphore_mem>>)
    %dma_wait3A_82 = arith.constant 1 : i32
    %dma_wait3A_83 = arith.constant 0 : i32
    %dma_wait3A_84 = tpu.memref_slice %arg23[%dma_wait3A_82, %dma_wait3A_83] : memref<7x128xi32, #tpu.memory_space<vmem>> -> memref<1x128xi32, #tpu.memory_space<vmem>>
    %dma_wait3A_85 = tpu.memref_squeeze %dma_wait3A_84 : memref<1x128xi32, #tpu.memory_space<vmem>> -> memref<128xi32, #tpu.memory_space<vmem>>
    %dma_wait3A_86 = tpu.memref_slice %arg10[%add3A_4] : memref<4096xi32, #tpu.memory_space<hbm>> -> memref<128xi32, #tpu.memory_space<hbm>>
    %dma_wait3A_87 = arith.constant 0 : i32
    %dma_wait3A_88 = tpu.memref_slice %arg23[%dma_wait3A_82, %dma_wait3A_87] : memref<7x128xi32, #tpu.memory_space<vmem>> -> memref<1x128xi32, #tpu.memory_space<vmem>>
    %dma_wait3A_89 = tpu.memref_squeeze %dma_wait3A_88 : memref<1x128xi32, #tpu.memory_space<vmem>> -> memref<128xi32, #tpu.memory_space<vmem>>
    %dma_wait3A_90 = tpu.memref_slice %arg10[%add3A_4] : memref<4096xi32, #tpu.memory_space<hbm>> -> memref<128xi32, #tpu.memory_space<hbm>>
    tpu.wait_dma2 semaphore(%arg30 : memref<!tpu.dma_semaphore, #tpu.memory_space<semaphore_mem>>) src(%dma_wait3A_90 : memref<128xi32, #tpu.memory_space<hbm>>) dst(%dma_wait3A_89 : memref<128xi32, #tpu.memory_space<vmem>>)
    %dma_start3A_91 = arith.constant 1 : i32
    %dma_start3A_92 = arith.constant 0 : i32
    %dma_start3A_93 = tpu.memref_slice %arg23[%dma_start3A_91, %dma_start3A_92] : memref<7x128xi32, #tpu.memory_space<vmem>> -> memref<1x128xi32, #tpu.memory_space<vmem>>
    %dma_start3A_94 = tpu.memref_squeeze %dma_start3A_93 : memref<1x128xi32, #tpu.memory_space<vmem>> -> memref<128xi32, #tpu.memory_space<vmem>>
    %dma_start3A_95 = arith.constant 0 : i32
    %dma_start3A_96 = arith.constant 0 : i32
    %dma_start3A_97 = tpu.memref_slice %arg3[%dma_start3A_95, %dma_start3A_96] : memref<200001x128xf32, #tpu.memory_space<hbm>> -> memref<200001x128xf32, #tpu.memory_space<hbm>>
    tpu.enqueue_indirect_dma source(%dma_start3A_97 : memref<200001x128xf32, #tpu.memory_space<hbm>>) target(%arg25 : memref<128x128xf32, #tpu.memory_space<vmem>>) offsets(%dma_start3A_94 : memref<128xi32, #tpu.memory_space<vmem>>) semaphore(%arg27 : memref<!tpu.dma_semaphore, #tpu.memory_space<semaphore_mem>>)
    %dma_wait3A_98 = arith.constant 0 : i32
    %dma_wait3A_99 = arith.constant 0 : i32
    %dma_wait3A_100 = tpu.memref_slice %arg23[%dma_wait3A_98, %dma_wait3A_99] : memref<7x128xi32, #tpu.memory_space<vmem>> -> memref<1x128xi32, #tpu.memory_space<vmem>>
    %dma_wait3A_101 = tpu.memref_squeeze %dma_wait3A_100 : memref<1x128xi32, #tpu.memory_space<vmem>> -> memref<128xi32, #tpu.memory_space<vmem>>
    %dma_wait3A_102 = arith.constant 0 : i32
    %dma_wait3A_103 = arith.constant 0 : i32
    %dma_wait3A_104 = tpu.memref_slice %arg2[%dma_wait3A_102, %dma_wait3A_103] : memref<200001x128xf32, #tpu.memory_space<hbm>> -> memref<200001x128xf32, #tpu.memory_space<hbm>>
    tpu.wait_indirect_dma semaphore(%arg26 : memref<!tpu.dma_semaphore, #tpu.memory_space<semaphore_mem>>) src(%dma_wait3A_104 : memref<200001x128xf32, #tpu.memory_space<hbm>>) dst(%arg24 : memref<128x128xf32, #tpu.memory_space<vmem>>)
    %dma_start3A_105 = arith.constant 0 : i32
    %dma_start3A_106 = tpu.memref_slice %arg16[%mul3A_2, %dma_start3A_105] : memref<4096x128xf32, #tpu.memory_space<hbm>> -> memref<128x128xf32, #tpu.memory_space<hbm>>
    %dma_start3A_107 = arith.constant 0 : i32
    %dma_start3A_108 = tpu.memref_slice %arg16[%mul3A_2, %dma_start3A_107] : memref<4096x128xf32, #tpu.memory_space<hbm>> -> memref<128x128xf32, #tpu.memory_space<hbm>>
    tpu.enqueue_dma source(%arg24 : memref<128x128xf32, #tpu.memory_space<vmem>>) target(%dma_start3A_108 : memref<128x128xf32, #tpu.memory_space<hbm>>) target_semaphore(%arg28 : memref<!tpu.dma_semaphore, #tpu.memory_space<semaphore_mem>>)
    %dma_wait3A_109 = arith.constant 2 : i32
    %dma_wait3A_110 = arith.constant 0 : i32
    %dma_wait3A_111 = tpu.memref_slice %arg23[%dma_wait3A_109, %dma_wait3A_110] : memref<7x128xi32, #tpu.memory_space<vmem>> -> memref<1x128xi32, #tpu.memory_space<vmem>>
    %dma_wait3A_112 = tpu.memref_squeeze %dma_wait3A_111 : memref<1x128xi32, #tpu.memory_space<vmem>> -> memref<128xi32, #tpu.memory_space<vmem>>
    %dma_wait3A_113 = tpu.memref_slice %arg11[%add3A_4] : memref<4096xi32, #tpu.memory_space<hbm>> -> memref<128xi32, #tpu.memory_space<hbm>>
    %dma_wait3A_114 = arith.constant 0 : i32
    %dma_wait3A_115 = tpu.memref_slice %arg23[%dma_wait3A_109, %dma_wait3A_114] : memref<7x128xi32, #tpu.memory_space<vmem>> -> memref<1x128xi32, #tpu.memory_space<vmem>>
    %dma_wait3A_116 = tpu.memref_squeeze %dma_wait3A_115 : memref<1x128xi32, #tpu.memory_space<vmem>> -> memref<128xi32, #tpu.memory_space<vmem>>
    %dma_wait3A_117 = tpu.memref_slice %arg11[%add3A_4] : memref<4096xi32, #tpu.memory_space<hbm>> -> memref<128xi32, #tpu.memory_space<hbm>>
    tpu.wait_dma2 semaphore(%arg30 : memref<!tpu.dma_semaphore, #tpu.memory_space<semaphore_mem>>) src(%dma_wait3A_117 : memref<128xi32, #tpu.memory_space<hbm>>) dst(%dma_wait3A_116 : memref<128xi32, #tpu.memory_space<vmem>>)
    %dma_wait3A_118 = arith.constant 0 : i32
    %dma_wait3A_119 = tpu.memref_slice %arg16[%mul3A_2, %dma_wait3A_118] : memref<4096x128xf32, #tpu.memory_space<hbm>> -> memref<128x128xf32, #tpu.memory_space<hbm>>
    %dma_wait3A_120 = arith.constant 0 : i32
    %dma_wait3A_121 = tpu.memref_slice %arg16[%mul3A_2, %dma_wait3A_120] : memref<4096x128xf32, #tpu.memory_space<hbm>> -> memref<128x128xf32, #tpu.memory_space<hbm>>
    tpu.wait_dma2 semaphore(%arg28 : memref<!tpu.dma_semaphore, #tpu.memory_space<semaphore_mem>>) src(%arg24 : memref<128x128xf32, #tpu.memory_space<vmem>>) dst(%dma_wait3A_121 : memref<128x128xf32, #tpu.memory_space<hbm>>)
    %dma_start3A_122 = arith.constant 2 : i32
    %dma_start3A_123 = arith.constant 0 : i32
    %dma_start3A_124 = tpu.memref_slice %arg23[%dma_start3A_122, %dma_start3A_123] : memref<7x128xi32, #tpu.memory_space<vmem>> -> memref<1x128xi32, #tpu.memory_space<vmem>>
    %dma_start3A_125 = tpu.memref_squeeze %dma_start3A_124 : memref<1x128xi32, #tpu.memory_space<vmem>> -> memref<128xi32, #tpu.memory_space<vmem>>
    %dma_start3A_126 = arith.constant 0 : i32
    %dma_start3A_127 = arith.constant 0 : i32
    %dma_start3A_128 = tpu.memref_slice %arg4[%dma_start3A_126, %dma_start3A_127] : memref<200001x128xf32, #tpu.memory_space<hbm>> -> memref<200001x128xf32, #tpu.memory_space<hbm>>
    tpu.enqueue_indirect_dma source(%dma_start3A_128 : memref<200001x128xf32, #tpu.memory_space<hbm>>) target(%arg24 : memref<128x128xf32, #tpu.memory_space<vmem>>) offsets(%dma_start3A_125 : memref<128xi32, #tpu.memory_space<vmem>>) semaphore(%arg26 : memref<!tpu.dma_semaphore, #tpu.memory_space<semaphore_mem>>)
    %dma_wait3A_129 = arith.constant 1 : i32
    %dma_wait3A_130 = arith.constant 0 : i32
    %dma_wait3A_131 = tpu.memref_slice %arg23[%dma_wait3A_129, %dma_wait3A_130] : memref<7x128xi32, #tpu.memory_space<vmem>> -> memref<1x128xi32, #tpu.memory_space<vmem>>
    %dma_wait3A_132 = tpu.memref_squeeze %dma_wait3A_131 : memref<1x128xi32, #tpu.memory_space<vmem>> -> memref<128xi32, #tpu.memory_space<vmem>>
    %dma_wait3A_133 = arith.constant 0 : i32
    %dma_wait3A_134 = arith.constant 0 : i32
    %dma_wait3A_135 = tpu.memref_slice %arg3[%dma_wait3A_133, %dma_wait3A_134] : memref<200001x128xf32, #tpu.memory_space<hbm>> -> memref<200001x128xf32, #tpu.memory_space<hbm>>
    tpu.wait_indirect_dma semaphore(%arg27 : memref<!tpu.dma_semaphore, #tpu.memory_space<semaphore_mem>>) src(%dma_wait3A_135 : memref<200001x128xf32, #tpu.memory_space<hbm>>) dst(%arg25 : memref<128x128xf32, #tpu.memory_space<vmem>>)
    %dma_start3A_136 = arith.constant 0 : i32
    %dma_start3A_137 = tpu.memref_slice %arg17[%mul3A_2, %dma_start3A_136] : memref<4096x128xf32, #tpu.memory_space<hbm>> -> memref<128x128xf32, #tpu.memory_space<hbm>>
    %dma_start3A_138 = arith.constant 0 : i32
    %dma_start3A_139 = tpu.memref_slice %arg17[%mul3A_2, %dma_start3A_138] : memref<4096x128xf32, #tpu.memory_space<hbm>> -> memref<128x128xf32, #tpu.memory_space<hbm>>
    tpu.enqueue_dma source(%arg25 : memref<128x128xf32, #tpu.memory_space<vmem>>) target(%dma_start3A_139 : memref<128x128xf32, #tpu.memory_space<hbm>>) target_semaphore(%arg29 : memref<!tpu.dma_semaphore, #tpu.memory_space<semaphore_mem>>)
    %dma_wait3A_140 = arith.constant 3 : i32
    %dma_wait3A_141 = arith.constant 0 : i32
    %dma_wait3A_142 = tpu.memref_slice %arg23[%dma_wait3A_140, %dma_wait3A_141] : memref<7x128xi32, #tpu.memory_space<vmem>> -> memref<1x128xi32, #tpu.memory_space<vmem>>
    %dma_wait3A_143 = tpu.memref_squeeze %dma_wait3A_142 : memref<1x128xi32, #tpu.memory_space<vmem>> -> memref<128xi32, #tpu.memory_space<vmem>>
    %dma_wait3A_144 = tpu.memref_slice %arg12[%add3A_4] : memref<4096xi32, #tpu.memory_space<hbm>> -> memref<128xi32, #tpu.memory_space<hbm>>
    %dma_wait3A_145 = arith.constant 0 : i32
    %dma_wait3A_146 = tpu.memref_slice %arg23[%dma_wait3A_140, %dma_wait3A_145] : memref<7x128xi32, #tpu.memory_space<vmem>> -> memref<1x128xi32, #tpu.memory_space<vmem>>
    %dma_wait3A_147 = tpu.memref_squeeze %dma_wait3A_146 : memref<1x128xi32, #tpu.memory_space<vmem>> -> memref<128xi32, #tpu.memory_space<vmem>>
    %dma_wait3A_148 = tpu.memref_slice %arg12[%add3A_4] : memref<4096xi32, #tpu.memory_space<hbm>> -> memref<128xi32, #tpu.memory_space<hbm>>
    tpu.wait_dma2 semaphore(%arg30 : memref<!tpu.dma_semaphore, #tpu.memory_space<semaphore_mem>>) src(%dma_wait3A_148 : memref<128xi32, #tpu.memory_space<hbm>>) dst(%dma_wait3A_147 : memref<128xi32, #tpu.memory_space<vmem>>)
    %dma_wait3A_149 = arith.constant 0 : i32
    %dma_wait3A_150 = tpu.memref_slice %arg17[%mul3A_2, %dma_wait3A_149] : memref<4096x128xf32, #tpu.memory_space<hbm>> -> memref<128x128xf32, #tpu.memory_space<hbm>>
    %dma_wait3A_151 = arith.constant 0 : i32
    %dma_wait3A_152 = tpu.memref_slice %arg17[%mul3A_2, %dma_wait3A_151] : memref<4096x128xf32, #tpu.memory_space<hbm>> -> memref<128x128xf32, #tpu.memory_space<hbm>>
    tpu.wait_dma2 semaphore(%arg29 : memref<!tpu.dma_semaphore, #tpu.memory_space<semaphore_mem>>) src(%arg25 : memref<128x128xf32, #tpu.memory_space<vmem>>) dst(%dma_wait3A_152 : memref<128x128xf32, #tpu.memory_space<hbm>>)
    %dma_start3A_153 = arith.constant 3 : i32
    %dma_start3A_154 = arith.constant 0 : i32
    %dma_start3A_155 = tpu.memref_slice %arg23[%dma_start3A_153, %dma_start3A_154] : memref<7x128xi32, #tpu.memory_space<vmem>> -> memref<1x128xi32, #tpu.memory_space<vmem>>
    %dma_start3A_156 = tpu.memref_squeeze %dma_start3A_155 : memref<1x128xi32, #tpu.memory_space<vmem>> -> memref<128xi32, #tpu.memory_space<vmem>>
    %dma_start3A_157 = arith.constant 0 : i32
    %dma_start3A_158 = arith.constant 0 : i32
    %dma_start3A_159 = tpu.memref_slice %arg5[%dma_start3A_157, %dma_start3A_158] : memref<200001x128xf32, #tpu.memory_space<hbm>> -> memref<200001x128xf32, #tpu.memory_space<hbm>>
    tpu.enqueue_indirect_dma source(%dma_start3A_159 : memref<200001x128xf32, #tpu.memory_space<hbm>>) target(%arg25 : memref<128x128xf32, #tpu.memory_space<vmem>>) offsets(%dma_start3A_156 : memref<128xi32, #tpu.memory_space<vmem>>) semaphore(%arg27 : memref<!tpu.dma_semaphore, #tpu.memory_space<semaphore_mem>>)
    %dma_wait3A_160 = arith.constant 2 : i32
    %dma_wait3A_161 = arith.constant 0 : i32
    %dma_wait3A_162 = tpu.memref_slice %arg23[%dma_wait3A_160, %dma_wait3A_161] : memref<7x128xi32, #tpu.memory_space<vmem>> -> memref<1x128xi32, #tpu.memory_space<vmem>>
    %dma_wait3A_163 = tpu.memref_squeeze %dma_wait3A_162 : memref<1x128xi32, #tpu.memory_space<vmem>> -> memref<128xi32, #tpu.memory_space<vmem>>
    %dma_wait3A_164 = arith.constant 0 : i32
    %dma_wait3A_165 = arith.constant 0 : i32
    %dma_wait3A_166 = tpu.memref_slice %arg4[%dma_wait3A_164, %dma_wait3A_165] : memref<200001x128xf32, #tpu.memory_space<hbm>> -> memref<200001x128xf32, #tpu.memory_space<hbm>>
    tpu.wait_indirect_dma semaphore(%arg26 : memref<!tpu.dma_semaphore, #tpu.memory_space<semaphore_mem>>) src(%dma_wait3A_166 : memref<200001x128xf32, #tpu.memory_space<hbm>>) dst(%arg24 : memref<128x128xf32, #tpu.memory_space<vmem>>)
    %dma_start3A_167 = arith.constant 0 : i32
    %dma_start3A_168 = tpu.memref_slice %arg18[%mul3A_2, %dma_start3A_167] : memref<4096x128xf32, #tpu.memory_space<hbm>> -> memref<128x128xf32, #tpu.memory_space<hbm>>
    %dma_start3A_169 = arith.constant 0 : i32
    %dma_start3A_170 = tpu.memref_slice %arg18[%mul3A_2, %dma_start3A_169] : memref<4096x128xf32, #tpu.memory_space<hbm>> -> memref<128x128xf32, #tpu.memory_space<hbm>>
    tpu.enqueue_dma source(%arg24 : memref<128x128xf32, #tpu.memory_space<vmem>>) target(%dma_start3A_170 : memref<128x128xf32, #tpu.memory_space<hbm>>) target_semaphore(%arg28 : memref<!tpu.dma_semaphore, #tpu.memory_space<semaphore_mem>>)
    %dma_wait3A_171 = arith.constant 4 : i32
    %dma_wait3A_172 = arith.constant 0 : i32
    %dma_wait3A_173 = tpu.memref_slice %arg23[%dma_wait3A_171, %dma_wait3A_172] : memref<7x128xi32, #tpu.memory_space<vmem>> -> memref<1x128xi32, #tpu.memory_space<vmem>>
    %dma_wait3A_174 = tpu.memref_squeeze %dma_wait3A_173 : memref<1x128xi32, #tpu.memory_space<vmem>> -> memref<128xi32, #tpu.memory_space<vmem>>
    %dma_wait3A_175 = tpu.memref_slice %arg13[%add3A_4] : memref<4096xi32, #tpu.memory_space<hbm>> -> memref<128xi32, #tpu.memory_space<hbm>>
    %dma_wait3A_176 = arith.constant 0 : i32
    %dma_wait3A_177 = tpu.memref_slice %arg23[%dma_wait3A_171, %dma_wait3A_176] : memref<7x128xi32, #tpu.memory_space<vmem>> -> memref<1x128xi32, #tpu.memory_space<vmem>>
    %dma_wait3A_178 = tpu.memref_squeeze %dma_wait3A_177 : memref<1x128xi32, #tpu.memory_space<vmem>> -> memref<128xi32, #tpu.memory_space<vmem>>
    %dma_wait3A_179 = tpu.memref_slice %arg13[%add3A_4] : memref<4096xi32, #tpu.memory_space<hbm>> -> memref<128xi32, #tpu.memory_space<hbm>>
    tpu.wait_dma2 semaphore(%arg30 : memref<!tpu.dma_semaphore, #tpu.memory_space<semaphore_mem>>) src(%dma_wait3A_179 : memref<128xi32, #tpu.memory_space<hbm>>) dst(%dma_wait3A_178 : memref<128xi32, #tpu.memory_space<vmem>>)
    %dma_wait3A_180 = arith.constant 0 : i32
    %dma_wait3A_181 = tpu.memref_slice %arg18[%mul3A_2, %dma_wait3A_180] : memref<4096x128xf32, #tpu.memory_space<hbm>> -> memref<128x128xf32, #tpu.memory_space<hbm>>
    %dma_wait3A_182 = arith.constant 0 : i32
    %dma_wait3A_183 = tpu.memref_slice %arg18[%mul3A_2, %dma_wait3A_182] : memref<4096x128xf32, #tpu.memory_space<hbm>> -> memref<128x128xf32, #tpu.memory_space<hbm>>
    tpu.wait_dma2 semaphore(%arg28 : memref<!tpu.dma_semaphore, #tpu.memory_space<semaphore_mem>>) src(%arg24 : memref<128x128xf32, #tpu.memory_space<vmem>>) dst(%dma_wait3A_183 : memref<128x128xf32, #tpu.memory_space<hbm>>)
    %dma_start3A_184 = arith.constant 4 : i32
    %dma_start3A_185 = arith.constant 0 : i32
    %dma_start3A_186 = tpu.memref_slice %arg23[%dma_start3A_184, %dma_start3A_185] : memref<7x128xi32, #tpu.memory_space<vmem>> -> memref<1x128xi32, #tpu.memory_space<vmem>>
    %dma_start3A_187 = tpu.memref_squeeze %dma_start3A_186 : memref<1x128xi32, #tpu.memory_space<vmem>> -> memref<128xi32, #tpu.memory_space<vmem>>
    %dma_start3A_188 = arith.constant 0 : i32
    %dma_start3A_189 = arith.constant 0 : i32
    %dma_start3A_190 = tpu.memref_slice %arg6[%dma_start3A_188, %dma_start3A_189] : memref<2262293x128xf32, #tpu.memory_space<hbm>> -> memref<2262293x128xf32, #tpu.memory_space<hbm>>
    tpu.enqueue_indirect_dma source(%dma_start3A_190 : memref<2262293x128xf32, #tpu.memory_space<hbm>>) target(%arg24 : memref<128x128xf32, #tpu.memory_space<vmem>>) offsets(%dma_start3A_187 : memref<128xi32, #tpu.memory_space<vmem>>) semaphore(%arg26 : memref<!tpu.dma_semaphore, #tpu.memory_space<semaphore_mem>>)
    %dma_wait3A_191 = arith.constant 3 : i32
    %dma_wait3A_192 = arith.constant 0 : i32
    %dma_wait3A_193 = tpu.memref_slice %arg23[%dma_wait3A_191, %dma_wait3A_192] : memref<7x128xi32, #tpu.memory_space<vmem>> -> memref<1x128xi32, #tpu.memory_space<vmem>>
    %dma_wait3A_194 = tpu.memref_squeeze %dma_wait3A_193 : memref<1x128xi32, #tpu.memory_space<vmem>> -> memref<128xi32, #tpu.memory_space<vmem>>
    %dma_wait3A_195 = arith.constant 0 : i32
    %dma_wait3A_196 = arith.constant 0 : i32
    %dma_wait3A_197 = tpu.memref_slice %arg5[%dma_wait3A_195, %dma_wait3A_196] : memref<200001x128xf32, #tpu.memory_space<hbm>> -> memref<200001x128xf32, #tpu.memory_space<hbm>>
    tpu.wait_indirect_dma semaphore(%arg27 : memref<!tpu.dma_semaphore, #tpu.memory_space<semaphore_mem>>) src(%dma_wait3A_197 : memref<200001x128xf32, #tpu.memory_space<hbm>>) dst(%arg25 : memref<128x128xf32, #tpu.memory_space<vmem>>)
    %dma_start3A_198 = arith.constant 0 : i32
    %dma_start3A_199 = tpu.memref_slice %arg19[%mul3A_2, %dma_start3A_198] : memref<4096x128xf32, #tpu.memory_space<hbm>> -> memref<128x128xf32, #tpu.memory_space<hbm>>
    %dma_start3A_200 = arith.constant 0 : i32
    %dma_start3A_201 = tpu.memref_slice %arg19[%mul3A_2, %dma_start3A_200] : memref<4096x128xf32, #tpu.memory_space<hbm>> -> memref<128x128xf32, #tpu.memory_space<hbm>>
    tpu.enqueue_dma source(%arg25 : memref<128x128xf32, #tpu.memory_space<vmem>>) target(%dma_start3A_201 : memref<128x128xf32, #tpu.memory_space<hbm>>) target_semaphore(%arg29 : memref<!tpu.dma_semaphore, #tpu.memory_space<semaphore_mem>>)
    %dma_wait3A_202 = arith.constant 5 : i32
    %dma_wait3A_203 = arith.constant 0 : i32
    %dma_wait3A_204 = tpu.memref_slice %arg23[%dma_wait3A_202, %dma_wait3A_203] : memref<7x128xi32, #tpu.memory_space<vmem>> -> memref<1x128xi32, #tpu.memory_space<vmem>>
    %dma_wait3A_205 = tpu.memref_squeeze %dma_wait3A_204 : memref<1x128xi32, #tpu.memory_space<vmem>> -> memref<128xi32, #tpu.memory_space<vmem>>
    %dma_wait3A_206 = tpu.memref_slice %arg14[%add3A_4] : memref<4096xi32, #tpu.memory_space<hbm>> -> memref<128xi32, #tpu.memory_space<hbm>>
    %dma_wait3A_207 = arith.constant 0 : i32
    %dma_wait3A_208 = tpu.memref_slice %arg23[%dma_wait3A_202, %dma_wait3A_207] : memref<7x128xi32, #tpu.memory_space<vmem>> -> memref<1x128xi32, #tpu.memory_space<vmem>>
    %dma_wait3A_209 = tpu.memref_squeeze %dma_wait3A_208 : memref<1x128xi32, #tpu.memory_space<vmem>> -> memref<128xi32, #tpu.memory_space<vmem>>
    %dma_wait3A_210 = tpu.memref_slice %arg14[%add3A_4] : memref<4096xi32, #tpu.memory_space<hbm>> -> memref<128xi32, #tpu.memory_space<hbm>>
    tpu.wait_dma2 semaphore(%arg30 : memref<!tpu.dma_semaphore, #tpu.memory_space<semaphore_mem>>) src(%dma_wait3A_210 : memref<128xi32, #tpu.memory_space<hbm>>) dst(%dma_wait3A_209 : memref<128xi32, #tpu.memory_space<vmem>>)
    %dma_wait3A_211 = arith.constant 0 : i32
    %dma_wait3A_212 = tpu.memref_slice %arg19[%mul3A_2, %dma_wait3A_211] : memref<4096x128xf32, #tpu.memory_space<hbm>> -> memref<128x128xf32, #tpu.memory_space<hbm>>
    %dma_wait3A_213 = arith.constant 0 : i32
    %dma_wait3A_214 = tpu.memref_slice %arg19[%mul3A_2, %dma_wait3A_213] : memref<4096x128xf32, #tpu.memory_space<hbm>> -> memref<128x128xf32, #tpu.memory_space<hbm>>
    tpu.wait_dma2 semaphore(%arg29 : memref<!tpu.dma_semaphore, #tpu.memory_space<semaphore_mem>>) src(%arg25 : memref<128x128xf32, #tpu.memory_space<vmem>>) dst(%dma_wait3A_214 : memref<128x128xf32, #tpu.memory_space<hbm>>)
    %dma_start3A_215 = arith.constant 5 : i32
    %dma_start3A_216 = arith.constant 0 : i32
    %dma_start3A_217 = tpu.memref_slice %arg23[%dma_start3A_215, %dma_start3A_216] : memref<7x128xi32, #tpu.memory_space<vmem>> -> memref<1x128xi32, #tpu.memory_space<vmem>>
    %dma_start3A_218 = tpu.memref_squeeze %dma_start3A_217 : memref<1x128xi32, #tpu.memory_space<vmem>> -> memref<128xi32, #tpu.memory_space<vmem>>
    %dma_start3A_219 = arith.constant 0 : i32
    %dma_start3A_220 = arith.constant 0 : i32
    %dma_start3A_221 = tpu.memref_slice %arg7[%dma_start3A_219, %dma_start3A_220] : memref<734685x128xf32, #tpu.memory_space<hbm>> -> memref<734685x128xf32, #tpu.memory_space<hbm>>
    tpu.enqueue_indirect_dma source(%dma_start3A_221 : memref<734685x128xf32, #tpu.memory_space<hbm>>) target(%arg25 : memref<128x128xf32, #tpu.memory_space<vmem>>) offsets(%dma_start3A_218 : memref<128xi32, #tpu.memory_space<vmem>>) semaphore(%arg27 : memref<!tpu.dma_semaphore, #tpu.memory_space<semaphore_mem>>)
    %dma_wait3A_222 = arith.constant 4 : i32
    %dma_wait3A_223 = arith.constant 0 : i32
    %dma_wait3A_224 = tpu.memref_slice %arg23[%dma_wait3A_222, %dma_wait3A_223] : memref<7x128xi32, #tpu.memory_space<vmem>> -> memref<1x128xi32, #tpu.memory_space<vmem>>
    %dma_wait3A_225 = tpu.memref_squeeze %dma_wait3A_224 : memref<1x128xi32, #tpu.memory_space<vmem>> -> memref<128xi32, #tpu.memory_space<vmem>>
    %dma_wait3A_226 = arith.constant 0 : i32
    %dma_wait3A_227 = arith.constant 0 : i32
    %dma_wait3A_228 = tpu.memref_slice %arg6[%dma_wait3A_226, %dma_wait3A_227] : memref<2262293x128xf32, #tpu.memory_space<hbm>> -> memref<2262293x128xf32, #tpu.memory_space<hbm>>
    tpu.wait_indirect_dma semaphore(%arg26 : memref<!tpu.dma_semaphore, #tpu.memory_space<semaphore_mem>>) src(%dma_wait3A_228 : memref<2262293x128xf32, #tpu.memory_space<hbm>>) dst(%arg24 : memref<128x128xf32, #tpu.memory_space<vmem>>)
    %dma_start3A_229 = arith.constant 0 : i32
    %dma_start3A_230 = tpu.memref_slice %arg20[%mul3A_2, %dma_start3A_229] : memref<4096x128xf32, #tpu.memory_space<hbm>> -> memref<128x128xf32, #tpu.memory_space<hbm>>
    %dma_start3A_231 = arith.constant 0 : i32
    %dma_start3A_232 = tpu.memref_slice %arg20[%mul3A_2, %dma_start3A_231] : memref<4096x128xf32, #tpu.memory_space<hbm>> -> memref<128x128xf32, #tpu.memory_space<hbm>>
    tpu.enqueue_dma source(%arg24 : memref<128x128xf32, #tpu.memory_space<vmem>>) target(%dma_start3A_232 : memref<128x128xf32, #tpu.memory_space<hbm>>) target_semaphore(%arg28 : memref<!tpu.dma_semaphore, #tpu.memory_space<semaphore_mem>>)
    %dma_wait3A_233 = arith.constant 6 : i32
    %dma_wait3A_234 = arith.constant 0 : i32
    %dma_wait3A_235 = tpu.memref_slice %arg23[%dma_wait3A_233, %dma_wait3A_234] : memref<7x128xi32, #tpu.memory_space<vmem>> -> memref<1x128xi32, #tpu.memory_space<vmem>>
    %dma_wait3A_236 = tpu.memref_squeeze %dma_wait3A_235 : memref<1x128xi32, #tpu.memory_space<vmem>> -> memref<128xi32, #tpu.memory_space<vmem>>
    %dma_wait3A_237 = tpu.memref_slice %arg15[%add3A_4] : memref<4096xi32, #tpu.memory_space<hbm>> -> memref<128xi32, #tpu.memory_space<hbm>>
    %dma_wait3A_238 = arith.constant 0 : i32
    %dma_wait3A_239 = tpu.memref_slice %arg23[%dma_wait3A_233, %dma_wait3A_238] : memref<7x128xi32, #tpu.memory_space<vmem>> -> memref<1x128xi32, #tpu.memory_space<vmem>>
    %dma_wait3A_240 = tpu.memref_squeeze %dma_wait3A_239 : memref<1x128xi32, #tpu.memory_space<vmem>> -> memref<128xi32, #tpu.memory_space<vmem>>
    %dma_wait3A_241 = tpu.memref_slice %arg15[%add3A_4] : memref<4096xi32, #tpu.memory_space<hbm>> -> memref<128xi32, #tpu.memory_space<hbm>>
    tpu.wait_dma2 semaphore(%arg30 : memref<!tpu.dma_semaphore, #tpu.memory_space<semaphore_mem>>) src(%dma_wait3A_241 : memref<128xi32, #tpu.memory_space<hbm>>) dst(%dma_wait3A_240 : memref<128xi32, #tpu.memory_space<vmem>>)
    %dma_wait3A_242 = arith.constant 0 : i32
    %dma_wait3A_243 = tpu.memref_slice %arg20[%mul3A_2, %dma_wait3A_242] : memref<4096x128xf32, #tpu.memory_space<hbm>> -> memref<128x128xf32, #tpu.memory_space<hbm>>
    %dma_wait3A_244 = arith.constant 0 : i32
    %dma_wait3A_245 = tpu.memref_slice %arg20[%mul3A_2, %dma_wait3A_244] : memref<4096x128xf32, #tpu.memory_space<hbm>> -> memref<128x128xf32, #tpu.memory_space<hbm>>
    tpu.wait_dma2 semaphore(%arg28 : memref<!tpu.dma_semaphore, #tpu.memory_space<semaphore_mem>>) src(%arg24 : memref<128x128xf32, #tpu.memory_space<vmem>>) dst(%dma_wait3A_245 : memref<128x128xf32, #tpu.memory_space<hbm>>)
    %dma_start3A_246 = arith.constant 6 : i32
    %dma_start3A_247 = arith.constant 0 : i32
    %dma_start3A_248 = tpu.memref_slice %arg23[%dma_start3A_246, %dma_start3A_247] : memref<7x128xi32, #tpu.memory_space<vmem>> -> memref<1x128xi32, #tpu.memory_space<vmem>>
    %dma_start3A_249 = tpu.memref_squeeze %dma_start3A_248 : memref<1x128xi32, #tpu.memory_space<vmem>> -> memref<128xi32, #tpu.memory_space<vmem>>
    %dma_start3A_250 = arith.constant 0 : i32
    %dma_start3A_251 = arith.constant 0 : i32
    %dma_start3A_252 = tpu.memref_slice %arg8[%dma_start3A_250, %dma_start3A_251] : memref<200001x128xf32, #tpu.memory_space<hbm>> -> memref<200001x128xf32, #tpu.memory_space<hbm>>
    tpu.enqueue_indirect_dma source(%dma_start3A_252 : memref<200001x128xf32, #tpu.memory_space<hbm>>) target(%arg24 : memref<128x128xf32, #tpu.memory_space<vmem>>) offsets(%dma_start3A_249 : memref<128xi32, #tpu.memory_space<vmem>>) semaphore(%arg26 : memref<!tpu.dma_semaphore, #tpu.memory_space<semaphore_mem>>)
    %dma_wait3A_253 = arith.constant 5 : i32
    %dma_wait3A_254 = arith.constant 0 : i32
    %dma_wait3A_255 = tpu.memref_slice %arg23[%dma_wait3A_253, %dma_wait3A_254] : memref<7x128xi32, #tpu.memory_space<vmem>> -> memref<1x128xi32, #tpu.memory_space<vmem>>
    %dma_wait3A_256 = tpu.memref_squeeze %dma_wait3A_255 : memref<1x128xi32, #tpu.memory_space<vmem>> -> memref<128xi32, #tpu.memory_space<vmem>>
    %dma_wait3A_257 = arith.constant 0 : i32
    %dma_wait3A_258 = arith.constant 0 : i32
    %dma_wait3A_259 = tpu.memref_slice %arg7[%dma_wait3A_257, %dma_wait3A_258] : memref<734685x128xf32, #tpu.memory_space<hbm>> -> memref<734685x128xf32, #tpu.memory_space<hbm>>
    tpu.wait_indirect_dma semaphore(%arg27 : memref<!tpu.dma_semaphore, #tpu.memory_space<semaphore_mem>>) src(%dma_wait3A_259 : memref<734685x128xf32, #tpu.memory_space<hbm>>) dst(%arg25 : memref<128x128xf32, #tpu.memory_space<vmem>>)
    %dma_start3A_260 = arith.constant 0 : i32
    %dma_start3A_261 = tpu.memref_slice %arg21[%mul3A_2, %dma_start3A_260] : memref<4096x128xf32, #tpu.memory_space<hbm>> -> memref<128x128xf32, #tpu.memory_space<hbm>>
    %dma_start3A_262 = arith.constant 0 : i32
    %dma_start3A_263 = tpu.memref_slice %arg21[%mul3A_2, %dma_start3A_262] : memref<4096x128xf32, #tpu.memory_space<hbm>> -> memref<128x128xf32, #tpu.memory_space<hbm>>
    tpu.enqueue_dma source(%arg25 : memref<128x128xf32, #tpu.memory_space<vmem>>) target(%dma_start3A_263 : memref<128x128xf32, #tpu.memory_space<hbm>>) target_semaphore(%arg29 : memref<!tpu.dma_semaphore, #tpu.memory_space<semaphore_mem>>)
    %dma_wait3A_264 = arith.constant 6 : i32
    %dma_wait3A_265 = arith.constant 0 : i32
    %dma_wait3A_266 = tpu.memref_slice %arg23[%dma_wait3A_264, %dma_wait3A_265] : memref<7x128xi32, #tpu.memory_space<vmem>> -> memref<1x128xi32, #tpu.memory_space<vmem>>
    %dma_wait3A_267 = tpu.memref_squeeze %dma_wait3A_266 : memref<1x128xi32, #tpu.memory_space<vmem>> -> memref<128xi32, #tpu.memory_space<vmem>>
    %dma_wait3A_268 = arith.constant 0 : i32
    %dma_wait3A_269 = arith.constant 0 : i32
    %dma_wait3A_270 = tpu.memref_slice %arg8[%dma_wait3A_268, %dma_wait3A_269] : memref<200001x128xf32, #tpu.memory_space<hbm>> -> memref<200001x128xf32, #tpu.memory_space<hbm>>
    tpu.wait_indirect_dma semaphore(%arg26 : memref<!tpu.dma_semaphore, #tpu.memory_space<semaphore_mem>>) src(%dma_wait3A_270 : memref<200001x128xf32, #tpu.memory_space<hbm>>) dst(%arg24 : memref<128x128xf32, #tpu.memory_space<vmem>>)
    %dma_wait3A_271 = arith.constant 0 : i32
    %dma_wait3A_272 = tpu.memref_slice %arg21[%mul3A_2, %dma_wait3A_271] : memref<4096x128xf32, #tpu.memory_space<hbm>> -> memref<128x128xf32, #tpu.memory_space<hbm>>
    %dma_wait3A_273 = arith.constant 0 : i32
    %dma_wait3A_274 = tpu.memref_slice %arg21[%mul3A_2, %dma_wait3A_273] : memref<4096x128xf32, #tpu.memory_space<hbm>> -> memref<128x128xf32, #tpu.memory_space<hbm>>
    tpu.wait_dma2 semaphore(%arg29 : memref<!tpu.dma_semaphore, #tpu.memory_space<semaphore_mem>>) src(%arg25 : memref<128x128xf32, #tpu.memory_space<vmem>>) dst(%dma_wait3A_274 : memref<128x128xf32, #tpu.memory_space<hbm>>)
    "tpu.region"() ({
      %run_scoped3A = tpu.sem_alloc : memref<!tpu.dma_semaphore, #tpu.memory_space<semaphore_mem>>
      %dma_start3A_275 = arith.constant 0 : i32
      %dma_start3A_276 = tpu.memref_slice %arg22[%mul3A_2, %dma_start3A_275] : memref<4096x128xf32, #tpu.memory_space<hbm>> -> memref<128x128xf32, #tpu.memory_space<hbm>>
      %dma_start3A_277 = arith.constant 0 : i32
      %dma_start3A_278 = tpu.memref_slice %arg22[%mul3A_2, %dma_start3A_277] : memref<4096x128xf32, #tpu.memory_space<hbm>> -> memref<128x128xf32, #tpu.memory_space<hbm>>
      tpu.enqueue_dma source(%arg24 : memref<128x128xf32, #tpu.memory_space<vmem>>) target(%dma_start3A_278 : memref<128x128xf32, #tpu.memory_space<hbm>>) target_semaphore(%run_scoped3A : memref<!tpu.dma_semaphore, #tpu.memory_space<semaphore_mem>>)
      %dma_wait3A_279 = arith.constant 0 : i32
      %dma_wait3A_280 = tpu.memref_slice %arg22[%mul3A_2, %dma_wait3A_279] : memref<4096x128xf32, #tpu.memory_space<hbm>> -> memref<128x128xf32, #tpu.memory_space<hbm>>
      %dma_wait3A_281 = arith.constant 0 : i32
      %dma_wait3A_282 = tpu.memref_slice %arg22[%mul3A_2, %dma_wait3A_281] : memref<4096x128xf32, #tpu.memory_space<hbm>> -> memref<128x128xf32, #tpu.memory_space<hbm>>
      tpu.wait_dma2 semaphore(%run_scoped3A : memref<!tpu.dma_semaphore, #tpu.memory_space<semaphore_mem>>) src(%arg24 : memref<128x128xf32, #tpu.memory_space<vmem>>) dst(%dma_wait3A_282 : memref<128x128xf32, #tpu.memory_space<hbm>>)
      tpu.yield
    }) : () -> ()
    return
  }
}

module attributes {stable_mosaic.version = 14 : i64} {
  func.func @_tc_body(%arg0: i32, %arg1: memref<1024x128xf32, #tpu.memory_space<vmem>>, %arg2: memref<1024x128xf32, #tpu.memory_space<vmem>>, %arg3: memref<1024x128xf32, #tpu.memory_space<vmem>>, %arg4: memref<1024x128xf32, #tpu.memory_space<vmem>>, %arg5: memref<1024x128xf32, #tpu.memory_space<vmem>>, %arg6: memref<1024x128xf32, #tpu.memory_space<vmem>>, %arg7: memref<1024x128xf32, #tpu.memory_space<vmem>>, %arg8: memref<1024x4xf32, #tpu.memory_space<vmem>>, %arg9: memref<900x100xf32, #tpu.memory_space<vmem>>, %arg10: memref<100x900xf32, #tpu.memory_space<vmem>>, %arg11: memref<1x900xf32, #tpu.memory_space<vmem>>, %arg12: memref<900x512xf32, #tpu.memory_space<vmem>>, %arg13: memref<1x512xf32, #tpu.memory_space<vmem>>, %arg14: memref<512x256xf32, #tpu.memory_space<vmem>>, %arg15: memref<1x256xf32, #tpu.memory_space<vmem>>, %arg16: memref<256x128xf32, #tpu.memory_space<vmem>>, %arg17: memref<1x128xf32, #tpu.memory_space<vmem>>, %arg18: memref<1024x128xf32, #tpu.memory_space<vmem>>) attributes {dimension_semantics = [#tpu.dimension_semantics<arbitrary>], iteration_bounds = array<i64: 4>, scalar_prefetch = 0 : i64, scratch_operands = 0 : i64, tpu.core_type = #tpu.core_type<tc>, window_params = [{transform_indices = @transform_0, window_bounds = array<i64: 1024, 128>}, {transform_indices = @transform_1, window_bounds = array<i64: 1024, 128>}, {transform_indices = @transform_2, window_bounds = array<i64: 1024, 128>}, {transform_indices = @transform_3, window_bounds = array<i64: 1024, 128>}, {transform_indices = @transform_4, window_bounds = array<i64: 1024, 128>}, {transform_indices = @transform_5, window_bounds = array<i64: 1024, 128>}, {transform_indices = @transform_6, window_bounds = array<i64: 1024, 128>}, {transform_indices = @transform_7, window_bounds = array<i64: 1024, 4>}, {pipeline_mode = #tpu.pipeline_mode<synchronous>, transform_indices = @transform_8, window_bounds = array<i64: 900, 100>}, {pipeline_mode = #tpu.pipeline_mode<synchronous>, transform_indices = @transform_9, window_bounds = array<i64: 100, 900>}, {pipeline_mode = #tpu.pipeline_mode<synchronous>, transform_indices = @transform_10, window_bounds = array<i64: 1, 900>}, {pipeline_mode = #tpu.pipeline_mode<synchronous>, transform_indices = @transform_11, window_bounds = array<i64: 900, 512>}, {pipeline_mode = #tpu.pipeline_mode<synchronous>, transform_indices = @transform_12, window_bounds = array<i64: 1, 512>}, {pipeline_mode = #tpu.pipeline_mode<synchronous>, transform_indices = @transform_13, window_bounds = array<i64: 512, 256>}, {pipeline_mode = #tpu.pipeline_mode<synchronous>, transform_indices = @transform_14, window_bounds = array<i64: 1, 256>}, {pipeline_mode = #tpu.pipeline_mode<synchronous>, transform_indices = @transform_15, window_bounds = array<i64: 256, 128>}, {pipeline_mode = #tpu.pipeline_mode<synchronous>, transform_indices = @transform_16, window_bounds = array<i64: 1, 128>}, {transform_indices = @transform_17, window_bounds = array<i64: 1024, 128>}]} {
    %get3A = arith.constant 0 : index
    %get3A_0 = arith.constant 0 : index
    %get3A_1 = vector.load %arg8[%get3A, %get3A_0] : memref<1024x4xf32, #tpu.memory_space<vmem>>, vector<1024x4xf32>
    %slice3A = vector.extract_strided_slice %get3A_1 {offsets = [0, 0], sizes = [1024, 1], strides = [1, 1]} : vector<1024x4xf32> to vector<1024x1xf32>
    %sub3A = arith.constant 234823.141 : f32
    %sub3A_2 = vector.broadcast %sub3A : f32 to vector<1024x1xf32>
    %sub3A_3 = arith.subf %slice3A, %sub3A_2 : vector<1024x1xf32>
    %mul3A = arith.constant 1.34124848E-5 : f32
    %mul3A_4 = vector.broadcast %mul3A : f32 to vector<1024x1xf32>
    %mul3A_5 = arith.mulf %sub3A_3, %mul3A_4 : vector<1024x1xf32>
    %slice3A_6 = vector.extract_strided_slice %get3A_1 {offsets = [0, 1], sizes = [1024, 1], strides = [1, 1]} : vector<1024x4xf32> to vector<1024x1xf32>
    %sub3A_7 = arith.constant 1.085000e+01 : f32
    %sub3A_8 = vector.broadcast %sub3A_7 : f32 to vector<1024x1xf32>
    %sub3A_9 = arith.subf %slice3A_6, %sub3A_8 : vector<1024x1xf32>
    %mul3A_10 = arith.constant 0.0703284293 : f32
    %mul3A_11 = vector.broadcast %mul3A_10 : f32 to vector<1024x1xf32>
    %mul3A_12 = arith.mulf %sub3A_9, %mul3A_11 : vector<1024x1xf32>
    %slice3A_13 = vector.extract_strided_slice %get3A_1 {offsets = [0, 2], sizes = [1024, 1], strides = [1, 1]} : vector<1024x4xf32> to vector<1024x1xf32>
    %sub3A_14 = arith.constant 1.608000e+01 : f32
    %sub3A_15 = vector.broadcast %sub3A_14 : f32 to vector<1024x1xf32>
    %sub3A_16 = arith.subf %slice3A_13, %sub3A_15 : vector<1024x1xf32>
    %mul3A_17 = arith.constant 0.05767354 : f32
    %mul3A_18 = vector.broadcast %mul3A_17 : f32 to vector<1024x1xf32>
    %mul3A_19 = arith.mulf %sub3A_16, %mul3A_18 : vector<1024x1xf32>
    %slice3A_20 = vector.extract_strided_slice %get3A_1 {offsets = [0, 3], sizes = [1024, 1], strides = [1, 1]} : vector<1024x4xf32> to vector<1024x1xf32>
    %sub3A_21 = arith.constant 43337.7695 : f32
    %sub3A_22 = vector.broadcast %sub3A_21 : f32 to vector<1024x1xf32>
    %sub3A_23 = arith.subf %slice3A_20, %sub3A_22 : vector<1024x1xf32>
    %mul3A_24 = arith.constant 1.62697836E-6 : f32
    %mul3A_25 = vector.broadcast %mul3A_24 : f32 to vector<1024x1xf32>
    %mul3A_26 = arith.mulf %sub3A_23, %mul3A_25 : vector<1024x1xf32>
    %get3A_27 = arith.constant 0 : index
    %get3A_28 = arith.constant 0 : index
    %get3A_29 = vector.load %arg1[%get3A_27, %get3A_28] : memref<1024x128xf32, #tpu.memory_space<vmem>>, vector<1024x128xf32>
    %get3A_30 = arith.constant 0 : index
    %get3A_31 = arith.constant 0 : index
    %get3A_32 = vector.load %arg2[%get3A_30, %get3A_31] : memref<1024x128xf32, #tpu.memory_space<vmem>>, vector<1024x128xf32>
    %get3A_33 = arith.constant 0 : index
    %get3A_34 = arith.constant 0 : index
    %get3A_35 = vector.load %arg3[%get3A_33, %get3A_34] : memref<1024x128xf32, #tpu.memory_space<vmem>>, vector<1024x128xf32>
    %get3A_36 = arith.constant 0 : index
    %get3A_37 = arith.constant 0 : index
    %get3A_38 = vector.load %arg4[%get3A_36, %get3A_37] : memref<1024x128xf32, #tpu.memory_space<vmem>>, vector<1024x128xf32>
    %get3A_39 = arith.constant 0 : index
    %get3A_40 = arith.constant 0 : index
    %get3A_41 = vector.load %arg5[%get3A_39, %get3A_40] : memref<1024x128xf32, #tpu.memory_space<vmem>>, vector<1024x128xf32>
    %get3A_42 = arith.constant 0 : index
    %get3A_43 = arith.constant 0 : index
    %get3A_44 = vector.load %arg6[%get3A_42, %get3A_43] : memref<1024x128xf32, #tpu.memory_space<vmem>>, vector<1024x128xf32>
    %get3A_45 = arith.constant 0 : index
    %get3A_46 = arith.constant 0 : index
    %get3A_47 = vector.load %arg7[%get3A_45, %get3A_46] : memref<1024x128xf32, #tpu.memory_space<vmem>>, vector<1024x128xf32>
    %concatenate3A = tpu.concatenate %get3A_29, %get3A_32, %get3A_35, %get3A_38, %get3A_41, %get3A_44, %mul3A_5, %mul3A_12, %mul3A_19, %mul3A_26, %get3A_47 in 1 : vector<1024x128xf32>, vector<1024x128xf32>, vector<1024x128xf32>, vector<1024x128xf32>, vector<1024x128xf32>, vector<1024x128xf32>, vector<1024x1xf32>, vector<1024x1xf32>, vector<1024x1xf32>, vector<1024x1xf32>, vector<1024x128xf32> -> vector<1024x900xf32>
    %get3A_48 = arith.constant 0 : index
    %get3A_49 = arith.constant 0 : index
    %get3A_50 = vector.load %arg9[%get3A_48, %get3A_49] : memref<900x100xf32, #tpu.memory_space<vmem>>, vector<900x100xf32>
    %dot_general3A = arith.constant dense<0.000000e+00> : vector<1024x100xf32>
    %dot_general3A_51 = tpu.matmul %concatenate3A, %get3A_50, %dot_general3A {dimension_numbers = #tpu.dot_dimension_numbers<[1], [0], [0], [1], [0, 0, 1, 1], [], []>, transpose_lhs_hint = false} : vector<1024x900xf32>, vector<900x100xf32>, vector<1024x100xf32> -> vector<1024x100xf32>
    %get3A_52 = arith.constant 0 : index
    %get3A_53 = arith.constant 0 : index
    %get3A_54 = vector.load %arg10[%get3A_52, %get3A_53] : memref<100x900xf32, #tpu.memory_space<vmem>>, vector<100x900xf32>
    %dot_general3A_55 = arith.constant dense<0.000000e+00> : vector<1024x900xf32>
    %dot_general3A_56 = tpu.matmul %dot_general3A_51, %get3A_54, %dot_general3A_55 {dimension_numbers = #tpu.dot_dimension_numbers<[1], [0], [0], [1], [0, 0, 1, 1], [], []>, transpose_lhs_hint = false} : vector<1024x100xf32>, vector<100x900xf32>, vector<1024x900xf32> -> vector<1024x900xf32>
    %get3A_57 = arith.constant 0 : index
    %get3A_58 = arith.constant 0 : index
    %get3A_59 = vector.load %arg11[%get3A_57, %get3A_58] : memref<1x900xf32, #tpu.memory_space<vmem>>, vector<1x900xf32>
    %add3A = vector.broadcast %get3A_59 : vector<1x900xf32> to vector<1024x900xf32>
    %add3A_60 = arith.addf %dot_general3A_56, %add3A : vector<1024x900xf32>
    %mul3A_61 = arith.mulf %concatenate3A, %add3A_60 : vector<1024x900xf32>
    %add3A_62 = arith.addf %mul3A_61, %concatenate3A : vector<1024x900xf32>
    %get3A_63 = arith.constant 0 : index
    %get3A_64 = arith.constant 0 : index
    %get3A_65 = vector.load %arg12[%get3A_63, %get3A_64] : memref<900x512xf32, #tpu.memory_space<vmem>>, vector<900x512xf32>
    %dot_general3A_66 = arith.constant dense<0.000000e+00> : vector<1024x512xf32>
    %dot_general3A_67 = tpu.matmul %add3A_62, %get3A_65, %dot_general3A_66 {dimension_numbers = #tpu.dot_dimension_numbers<[1], [0], [0], [1], [0, 0, 1, 1], [], []>, transpose_lhs_hint = false} : vector<1024x900xf32>, vector<900x512xf32>, vector<1024x512xf32> -> vector<1024x512xf32>
    %get3A_68 = arith.constant 0 : index
    %get3A_69 = arith.constant 0 : index
    %get3A_70 = vector.load %arg13[%get3A_68, %get3A_69] : memref<1x512xf32, #tpu.memory_space<vmem>>, vector<1x512xf32>
    %add3A_71 = vector.broadcast %get3A_70 : vector<1x512xf32> to vector<1024x512xf32>
    %add3A_72 = arith.addf %dot_general3A_67, %add3A_71 : vector<1024x512xf32>
    %max3A = arith.constant 0.000000e+00 : f32
    %max3A_73 = vector.broadcast %max3A : f32 to vector<1024x512xf32>
    %max3A_74 = arith.maximumf %add3A_72, %max3A_73 : vector<1024x512xf32>
    %get3A_75 = arith.constant 0 : index
    %get3A_76 = arith.constant 0 : index
    %get3A_77 = vector.load %arg14[%get3A_75, %get3A_76] : memref<512x256xf32, #tpu.memory_space<vmem>>, vector<512x256xf32>
    %dot_general3A_78 = arith.constant dense<0.000000e+00> : vector<1024x256xf32>
    %dot_general3A_79 = tpu.matmul %max3A_74, %get3A_77, %dot_general3A_78 {dimension_numbers = #tpu.dot_dimension_numbers<[1], [0], [0], [1], [0, 0, 1, 1], [], []>, transpose_lhs_hint = false} : vector<1024x512xf32>, vector<512x256xf32>, vector<1024x256xf32> -> vector<1024x256xf32>
    %get3A_80 = arith.constant 0 : index
    %get3A_81 = arith.constant 0 : index
    %get3A_82 = vector.load %arg15[%get3A_80, %get3A_81] : memref<1x256xf32, #tpu.memory_space<vmem>>, vector<1x256xf32>
    %add3A_83 = vector.broadcast %get3A_82 : vector<1x256xf32> to vector<1024x256xf32>
    %add3A_84 = arith.addf %dot_general3A_79, %add3A_83 : vector<1024x256xf32>
    %max3A_85 = arith.constant 0.000000e+00 : f32
    %max3A_86 = vector.broadcast %max3A_85 : f32 to vector<1024x256xf32>
    %max3A_87 = arith.maximumf %add3A_84, %max3A_86 : vector<1024x256xf32>
    %get3A_88 = arith.constant 0 : index
    %get3A_89 = arith.constant 0 : index
    %get3A_90 = vector.load %arg16[%get3A_88, %get3A_89] : memref<256x128xf32, #tpu.memory_space<vmem>>, vector<256x128xf32>
    %dot_general3A_91 = arith.constant dense<0.000000e+00> : vector<1024x128xf32>
    %dot_general3A_92 = tpu.matmul %max3A_87, %get3A_90, %dot_general3A_91 {dimension_numbers = #tpu.dot_dimension_numbers<[1], [0], [0], [1], [0, 0, 1, 1], [], []>, transpose_lhs_hint = false} : vector<1024x256xf32>, vector<256x128xf32>, vector<1024x128xf32> -> vector<1024x128xf32>
    %get3A_93 = arith.constant 0 : index
    %get3A_94 = arith.constant 0 : index
    %get3A_95 = vector.load %arg17[%get3A_93, %get3A_94] : memref<1x128xf32, #tpu.memory_space<vmem>>, vector<1x128xf32>
    %add3A_96 = vector.broadcast %get3A_95 : vector<1x128xf32> to vector<1024x128xf32>
    %add3A_97 = arith.addf %dot_general3A_92, %add3A_96 : vector<1024x128xf32>
    %swap3A = arith.constant 0 : index
    %swap3A_98 = arith.constant 0 : index
    %swap3A_99 = vector.load %arg18[%swap3A, %swap3A_98] : memref<1024x128xf32, #tpu.memory_space<vmem>>, vector<1024x128xf32>
    tpu.vector_store %arg18[%swap3A, %swap3A_98], %add3A_97 {strides = array<i32>} : memref<1024x128xf32, #tpu.memory_space<vmem>>, vector<1024x128xf32>,
    return
  }
  func.func @transform_0(%arg0: i32) -> (i32, i32) {
    %c0_i32 = arith.constant 0 : i32
    %c0_i32_0 = arith.constant 0 : i32
    return %arg0, %c0_i32 : i32, i32
  }
  func.func @transform_1(%arg0: i32) -> (i32, i32) {
    %c0_i32 = arith.constant 0 : i32
    %c0_i32_0 = arith.constant 0 : i32
    return %arg0, %c0_i32 : i32, i32
  }
  func.func @transform_2(%arg0: i32) -> (i32, i32) {
    %c0_i32 = arith.constant 0 : i32
    %c0_i32_0 = arith.constant 0 : i32
    return %arg0, %c0_i32 : i32, i32
  }
  func.func @transform_3(%arg0: i32) -> (i32, i32) {
    %c0_i32 = arith.constant 0 : i32
    %c0_i32_0 = arith.constant 0 : i32
    return %arg0, %c0_i32 : i32, i32
  }
  func.func @transform_4(%arg0: i32) -> (i32, i32) {
    %c0_i32 = arith.constant 0 : i32
    %c0_i32_0 = arith.constant 0 : i32
    return %arg0, %c0_i32 : i32, i32
  }
  func.func @transform_5(%arg0: i32) -> (i32, i32) {
    %c0_i32 = arith.constant 0 : i32
    %c0_i32_0 = arith.constant 0 : i32
    return %arg0, %c0_i32 : i32, i32
  }
  func.func @transform_6(%arg0: i32) -> (i32, i32) {
    %c0_i32 = arith.constant 0 : i32
    %c0_i32_0 = arith.constant 0 : i32
    return %arg0, %c0_i32 : i32, i32
  }
  func.func @transform_7(%arg0: i32) -> (i32, i32) {
    %c0_i32 = arith.constant 0 : i32
    %c0_i32_0 = arith.constant 0 : i32
    return %arg0, %c0_i32 : i32, i32
  }
  func.func @transform_8(%arg0: i32) -> (i32, i32) {
    %c0_i32 = arith.constant 0 : i32
    %c0_i32_0 = arith.constant 0 : i32
    %c0_i32_1 = arith.constant 0 : i32
    return %c0_i32, %c0_i32_0 : i32, i32
  }
  func.func @transform_9(%arg0: i32) -> (i32, i32) {
    %c0_i32 = arith.constant 0 : i32
    %c0_i32_0 = arith.constant 0 : i32
    %c0_i32_1 = arith.constant 0 : i32
    return %c0_i32, %c0_i32_0 : i32, i32
  }
  func.func @transform_10(%arg0: i32) -> (i32, i32) {
    %c0_i32 = arith.constant 0 : i32
    %c0_i32_0 = arith.constant 0 : i32
    %c0_i32_1 = arith.constant 0 : i32
    return %c0_i32, %c0_i32_0 : i32, i32
  }
  func.func @transform_11(%arg0: i32) -> (i32, i32) {
    %c0_i32 = arith.constant 0 : i32
    %c0_i32_0 = arith.constant 0 : i32
    %c0_i32_1 = arith.constant 0 : i32
    return %c0_i32, %c0_i32_0 : i32, i32
  }
  func.func @transform_12(%arg0: i32) -> (i32, i32) {
    %c0_i32 = arith.constant 0 : i32
    %c0_i32_0 = arith.constant 0 : i32
    %c0_i32_1 = arith.constant 0 : i32
    return %c0_i32, %c0_i32_0 : i32, i32
  }
  func.func @transform_13(%arg0: i32) -> (i32, i32) {
    %c0_i32 = arith.constant 0 : i32
    %c0_i32_0 = arith.constant 0 : i32
    %c0_i32_1 = arith.constant 0 : i32
    return %c0_i32, %c0_i32_0 : i32, i32
  }
  func.func @transform_14(%arg0: i32) -> (i32, i32) {
    %c0_i32 = arith.constant 0 : i32
    %c0_i32_0 = arith.constant 0 : i32
    %c0_i32_1 = arith.constant 0 : i32
    return %c0_i32, %c0_i32_0 : i32, i32
  }
  func.func @transform_15(%arg0: i32) -> (i32, i32) {
    %c0_i32 = arith.constant 0 : i32
    %c0_i32_0 = arith.constant 0 : i32
    %c0_i32_1 = arith.constant 0 : i32
    return %c0_i32, %c0_i32_0 : i32, i32
  }
  func.func @transform_16(%arg0: i32) -> (i32, i32) {
    %c0_i32 = arith.constant 0 : i32
    %c0_i32_0 = arith.constant 0 : i32
    %c0_i32_1 = arith.constant 0 : i32
    return %c0_i32, %c0_i32_0 : i32, i32
  }
  func.func @transform_17(%arg0: i32) -> (i32, i32) {
    %c0_i32 = arith.constant 0 : i32
    %c0_i32_0 = arith.constant 0 : i32
    return %arg0, %c0_i32 : i32, i32
  }
}

</mosaic_0001>

<sc_bundles>
// kernel: kernel.4.cloned.1.call-start
scs
__scs_entry_jumppad:
0x0: {  	(pc) =	sbr.rel $0x88, $3  }
0x1: {  	(tag) =	ssettag $0x0;
	lr =	simm.s32 $0x1  }
0x2: {  	[smem:$0x3F86] =	sst lr;
	_ =	strace $0xD0000000  }
0x3: {  	_ = 	snop  }
0x4: {  	_ = 	snop  }
0x5: {  	_ = 	snop  }
0x6: {  	_ = 	snop  }
0x7: {  	_ = 	snop  }
__scs_overlays_trampoline_lowered:
0x8: {  	[smem:$0x3F95] =	sst s0  }
0x9: {  	[smem:$0x3F96] =	sst s1  }
0xa: {  	[smem:$0x3F97] =	sst s2  }
0xb: {  	[smem:$0x3F98] =	sst s3  }
0xc: {  	[smem:$0x3F99] =	sst s4  }
0xd: {  	[smem:$0x3F9A] =	sst s5  }
0xe: {  	[smem:$0x3F9B] =	sst s6  }
0xf: {  	[smem:$0x3F9C] =	sst s7  }
0x10: {  	[smem:$0x3F9D] =	sst s8  }
0x11: {  	[smem:$0x3F9E] =	sst s9;
	s0 =	simm.s32 @!p0 $0x0  }
0x12: {  	s1 =	sld [smem:$0x3F84];
	s0 =	simm.s32 @p0 $0x1  }
0x13: {  	[smem:$0x3F9F] =	sst s0;
	s0 =	simm.s32 @!p1 $0x0  }
0x14: {  	s2 =	sld [smem:$0x3F83];
	s0 =	simm.s32 @p1 $0x1  }
0x15: {  	[smem:$0x3FA0] =	sst s0;
	s0 =	simm.s32 @!p2 $0x0  }
0x16: {  	s3 =	sld [smem:$0x3FDB];
	s0 =	simm.s32 @p2 $0x1  }
0x17: {  	s4 =	simm.s32 $0x1BF5;
	[smem:$0x3FA2] =	sst s0  }
0x18: {  	s0 =	sld [smem:$0x3F85];
	_ =	swait.ge [sflag:s4], $0x0  }
0x19: {  	s7 =	sld [smem:$0x3F86]  }
0x1a: {  	s8 =	sadd.s32 $0xFFFFE003, lr  }
0x1b: {  	s9 =	sadd.s32 $0xFFFFFEF7, lr;
	s5 =	simm.s32 $0xFFFFFFFF;
	p2 =	slt.u32 s8, $0xFFFFF086  }
0x1c: {  	p1 =	slt.u32 s9, $0xF7A;
	s5 =	simm.s32 @!p2 $0x0  }
0x1d: {  	s5 =	simm.s32 @p1 $0x1;
	p0 =	seq.s32 s7, s2  }
0x1e: {  	s7 =	smul.u32 @!p0 $0xF7A, s2;
	p2 =	seq.s32 @!p0 s5, $0x0  }
0x1f: {  	s9 =	smul.u32 $0xF7A, s1;
	s8 =	simm.s32 @!p0 $0x1BF5;
	p2 =	por !p2, p0  }
0x20: {  	[sflag:s8] =	ssyncset.s32 @!p0 $0xFFFFF086;
	s6 =	sadd.s32 @!p0 s3, s7;
	s7 =	simm.s32 @!p0 $0x108  }
0x21: {  	s3 =	sadd.s32 s3, s9;
	s6 =	sadd.s32 @!p0 $0x88, s6;
	s7 =	simm.s32 @p2 $0x1082  }
0x22: {  	[simem:s7], [sflag:s8] =	dma.local @!p0 [hbm:s6], $0xF7A  }
0x23: {  	s9 =	sor.u32 $0xD0000000, s2;
	s6 =	simm.s32 $0x108;
	_ =	swait.ge @!p0 [sflag:s8], $0x0  }
0x24: {  	s3 =	sadd.s32 $0x88, s3;
	s6 =	simm.s32 @!p1 $0x1082;
	[sflag:s4] =	ssyncset.s32 $0xFFFFF086  }
0x25: {  	[simem:s6], [sflag:s4] =	dma.local [hbm:s3], $0xF7A  }
0x26: {  	[smem:$0x3F86] =	sst s1;
	(tag) =	ssettag s2;
	_ =	strace s9  }
0x27: {  	s1 =	sld [smem:$0x3F96]  }
0x28: {  	s2 =	sld [smem:$0x3F97]  }
0x29: {  	s4 =	sld [smem:$0x3F99]  }
0x2a: {  	p0 =	seq.s32 s5, $0x0;
	s5 =	sld [smem:$0x3F9A]  }
0x2b: {  	s6 =	sld [smem:$0x3F9B]  }
0x2c: {  	s7 =	sld [smem:$0x3F9C]  }
0x2d: {  	s3 =	simm.s32 $0x108;
	s8 =	sld [smem:$0x3F9D]  }
0x2e: {  	s3 =	simm.s32 @!p0 $0x1082;
	s9 =	sld [smem:$0x3F9E]  }
0x2f: {  	lr =	sadd.s32 s0, s3;
	s0 =	sld [smem:$0x3F95]  }
0x30: {  	s3 =	sld [smem:$0x3F98]  }
0x31: {  	[smem:$0x3FA1] =	sst s10  }
0x32: {  	s10 =	sld [smem:$0x3F9F];
	_ =	sdelay $0x3  }
0x33: {  	p0 =	seq.s32 s10, $0x1;
	s10 =	sld [smem:$0x3FA1];
	_ =	sdelay $0x3  }
0x34: {  	[smem:$0x3FA1] =	sst s10  }
0x35: {  	s10 =	sld [smem:$0x3FA0];
	_ =	sdelay $0x3  }
0x36: {  	p1 =	seq.s32 s10, $0x1;
	s10 =	sld [smem:$0x3FA1];
	_ =	sdelay $0x3  }
0x37: {  	[smem:$0x3FA1] =	sst s10  }
0x38: {  	s10 =	sld [smem:$0x3FA2]  }
0x39: {  	_ = 	snop;
	(pc) =	sbr.ind lr, $3  }
0x3a: {  	_ = 	snop  }
0x3b: {  	_ = 	snop  }
0x3c: {  	p2 =	seq.s32 s10, $0x1;
	s10 =	sld [smem:$0x3FA1]  }
0x3d: {  	_ =	shalt  }
0x3e: {  	_ =	shalt  }
0x3f: {  	_ =	shalt  }
0x40: {  	_ =	shalt  }
0x41: {  	_ =	shalt  }
0x42: {  	_ =	shalt  }
0x43: {  	_ =	shalt  }
0x44: {  	_ =	shalt  }
0x45: {  	_ =	shalt  }
0x46: {  	_ =	shalt  }
0x47: {  	_ =	shalt  }
0x48: {  	_ =	shalt  }
0x49: {  	_ =	shalt  }
0x4a: {  	_ =	shalt  }
0x4b: {  	_ =	shalt  }
0x4c: {  	_ =	shalt  }
0x4d: {  	_ =	shalt  }
0x4e: {  	_ =	shalt  }
0x4f: {  	_ =	shalt  }
0x50: {  	_ =	shalt  }
0x51: {  	_ =	shalt  }
0x52: {  	_ =	shalt  }
0x53: {  	_ =	shalt  }
0x54: {  	_ =	shalt  }
0x55: {  	_ =	shalt  }
0x56: {  	_ =	shalt  }
0x57: {  	_ =	shalt  }
0x58: {  	_ =	shalt  }
0x59: {  	_ =	shalt  }
0x5a: {  	_ =	shalt  }
0x5b: {  	_ =	shalt  }
0x5c: {  	_ =	shalt  }
0x5d: {  	_ =	shalt  }
0x5e: {  	_ =	shalt  }
0x5f: {  	_ =	shalt  }
0x60: {  	_ =	shalt  }
0x61: {  	_ =	shalt  }
0x62: {  	_ =	shalt  }
0x63: {  	_ =	shalt  }
0x64: {  	_ =	shalt  }
0x65: {  	_ =	shalt  }
0x66: {  	_ =	shalt  }
0x67: {  	_ =	shalt  }
0x68: {  	_ =	shalt  }
0x69: {  	_ =	shalt  }
0x6a: {  	_ =	shalt  }
0x6b: {  	_ =	shalt  }
0x6c: {  	_ =	shalt  }
0x6d: {  	_ =	shalt  }
0x6e: {  	_ =	shalt  }
0x6f: {  	_ =	shalt  }
0x70: {  	_ =	shalt  }
0x71: {  	_ =	shalt  }
0x72: {  	_ =	shalt  }
0x73: {  	_ =	shalt  }
0x74: {  	_ =	shalt  }
0x75: {  	_ =	shalt  }
0x76: {  	_ =	shalt  }
0x77: {  	_ =	shalt  }
0x78: {  	_ =	shalt  }
0x79: {  	_ =	shalt  }
0x7a: {  	_ =	shalt  }
0x7b: {  	_ =	shalt  }
0x7c: {  	_ =	shalt  }
0x7d: {  	_ =	shalt  }
0x7e: {  	_ =	shalt  }
0x7f: {  	_ =	shalt  }
0x80: {  	_ =	shalt  }
0x81: {  	_ =	shalt  }
0x82: {  	_ =	shalt  }
0x83: {  	_ =	shalt  }
0x84: {  	_ =	shalt  }
0x85: {  	_ =	shalt  }
0x86: {  	_ =	shalt  }
0x87: {  	_ =	shalt  }
.Lfunc_end0:
.L_simem_size_0:
called_computation_lowered:
.L_overlay_start_0:
0x88: {  	s2 =	sld [smem:$0x3FD9]  }
0x89: {  	s3 =	sld [smem:$0x3FFE];
	_ =	sdelay $0x1  }
0x8a: {  	s1 =	srdreg.scid  }
0x8b: {  	s0 =	sand.u32 $0x1, s1  }
0x8c: {  	s23 =	sshll.u32 s0, $0xA;
	s2 =	sadd.s32 s3, s2  }
0x8d: {  	s2 =	sadd.s32 s2, s23  }
0x8e: {  	[smem:$0x3FAD] =	sst s2  }
0x8f: {  	_ = 	snop  }
0x90: {  	s2 =	sld [smem:$0x3FC9]  }
0x91: {  	s3 =	sld [smem:$0x3FC8]  }
0x92: {  	s4 =	sld [smem:$0x3FC7]  }
0x93: {  	s5 =	sld [smem:$0x3FC6]  }
0x94: {  	s6 =	sld [smem:$0x3FC5]  }
0x95: {  	s7 =	sld [smem:$0x3FC4]  }
0x96: {  	s8 =	sld [smem:$0x3FC3]  }
0x97: {  	s9 =	sld [smem:$0x3FBE]  }
0x98: {  	s10 =	sld [smem:$0x3FBD]  }
0x99: {  	s11 =	sld [smem:$0x3FBC]  }
0x9a: {  	s12 =	sld [smem:$0x3FBB]  }
0x9b: {  	s13 =	sld [smem:$0x3FBA]  }
0x9c: {  	s14 =	sld [smem:$0x3FB9]  }
0x9d: {  	s15 =	sld [smem:$0x3FB8]  }
0x9e: {  	s17 =	sld [smem:$0x3FD0];
	(tm) =	ssettm $0x1  }
0x9f: {  	s16 =	sld [smem:$0x3FFB];
	_ =	sdelay $0x3  }
0xa0: {  	_ =	strace s16  }
0xa1: {  	s16 =	sld [smem:$0x3FFC];
	_ =	sdelay $0x3  }
0xa2: {  	_ =	strace s16  }
0xa3: {  	s16 =	sld [smem:$0x3FFD];
	_ =	sdelay $0x3  }
0xa4: {  	_ =	strace s16  }
0xa5: {  	_ =	strace $0x8FFFFFFF  }
0xa6: {  	s24 =	sld [smem:$0x3FDB];
	_ =	sdelay $0x1  }
0xa7: {  	s18 =	simm.s32 $_scs_section_size  }
0xa8: {  	s19 =	simm.s32 $_size__tile_task_arg_handler_lowered;
	s20 =	simm.s32 $_tile_task_arg_handler_lowered  }
0xa9: {  	s28 =	simm.s32 $0x1BFF;
	s26 =	sshll.u32 s20, $0x1;
	s18 =	sadd.s32 s18, s24  }
0xaa: {  	s21 =	simm.s32 $0x60;
	s25 =	sshll.u32 s19, $0x1;
	s19 =	sadd.s32 s26, s18  }
0xab: {  	[timem:s21], [sflag:s28] =	dma.local [hbm:s19], s25  }
0xac: {  	_ =	swait.ge [sflag:s28], s25  }
0xad: {  	s29 =	simm.s32 $_tile_overlayer_lowered;
	s16 =	ssub.s32 $0x0, s25;
	[sflag:s28] =	ssyncset.done $0x0  }
0xae: {  	s30 =	simm.s32 $_size__tile_overlayer_lowered;
	s19 =	sshll.u32 s29, $0x1;
	[sflag:s28] =	ssyncadd.s32 s16  }
0xaf: {  	s31 =	sshll.u32 s30, $0x1;
	s19 =	sadd.s32 s19, s18;
	s16 =	simm.s32 $0x0  }
0xb0: {  	[timem:s16], [sflag:s28] =	dma.local [hbm:s19], s31  }
0xb1: {  	_ =	swait.ge [sflag:s28], s31  }
0xb2: {  	s22 =	ssub.s32 $0x0, s31;
	[sflag:s28] =	ssyncset.done $0x0  }
0xb3: {  	[sflag:s28] =	ssyncadd.s32 s22;
	_ =	sdelay $0x1  }
0xb4: {  	s23 =	simm.s32 $0x1B8B  }
0xb5: {  	_ =	swait.ge [sflag:s23], $0x1  }
0xb6: {  	[sflag:s23] =	ssyncset.done $0x0  }
0xb7: {  	s25 =	simm.s32 $0x1B8E;
	s24 =	sld [smem:$0x3FFE];
	[sflag:s23] =	ssyncadd.s32 $0xFFFFFFFF  }
0xb8: {  	s26 =	simm.s32 $execute0_lowered;
	[smem:$0x3FD2] =	sst s25  }
0xb9: {  	s20 =	sshll.u32 s26, $0x1;
	_ =	strace $0x80000046;
	[dreg:$0x1] =	wrdreg $0xFFFFFFFF  }
0xba: {  	s18 =	sadd.s32 s18, s20;
	s28 =	simm.s32 $_size_execute0_lowered;
	[dreg:$0x0] =	wrdreg $0x0  }
0xbb: {  	s20 =	sshll.u32 s28, $0x1;
	[dreg:$0x2] =	wrdreg s18  }
0xbc: {  	[dreg:$0x3] =	wrdreg s20  }
0xbd: {  	[dreg:$0x4] =	wrdreg $0xC0  }
0xbe: {  	_ =	task [dreg:s16], $0x5FFFF  }
0xbf: {  	[dreg:$0x1] =	wrdreg $0xFFFFFFFF  }
0xc0: {  	[dreg:$0x0] =	wrdreg $0x30  }
0xc1: {  	[dreg:$0x2] =	wrdreg $0x0  }
0xc2: {  	[dreg:$0x3] =	wrdreg s17  }
0xc3: {  	[dreg:$0x4] =	wrdreg s24  }
0xc4: {  	[dreg:$0x5] =	wrdreg $0x9  }
0xc5: {  	_ =	task [dreg:s16], $0x6FFFF  }
0xc6: {  	[dreg:$0x1] =	wrdreg $0xFFFFFFFF  }
0xc7: {  	[dreg:$0x0] =	wrdreg $0x60  }
0xc8: {  	[dreg:$0x2] =	wrdreg s9  }
0xc9: {  	[dreg:$0x3] =	wrdreg s10  }
0xca: {  	[dreg:$0x4] =	wrdreg s11  }
0xcb: {  	[dreg:$0x5] =	wrdreg s12  }
0xcc: {  	[dreg:$0x6] =	wrdreg s13  }
0xcd: {  	[dreg:$0x7] =	wrdreg s14  }
0xce: {  	[dreg:$0x8] =	wrdreg s15  }
0xcf: {  	[dreg:$0x9] =	wrdreg s2  }
0xd0: {  	[dreg:$0xa] =	wrdreg s3  }
0xd1: {  	[dreg:$0xb] =	wrdreg s4  }
0xd2: {  	[dreg:$0xc] =	wrdreg s5  }
0xd3: {  	[dreg:$0xd] =	wrdreg s6  }
0xd4: {  	[dreg:$0xe] =	wrdreg s7  }
0xd5: {  	[dreg:$0xf] =	wrdreg s8  }
0xd6: {  	_ =	task.clear_ibuf [dreg:s16], $0x10FFFF;
	_ =	strace $0x90000046  }
0xd7: {  	s29 =	simm.s32 $0x9;
	_ =	strace $0x80000048  }
0xd8: {  	_ =	swait.ge [sflag:s29], $0x1  }
0xd9: {  	[sflag:s29] =	ssyncadd.s32 $0xFFFFFFFF  }
0xda: {  	_ =	strace $0x90000048  }
0xdb: {  	_ =	sfence  }
0xdc: {  	s30 =	sld [smem:$0x0];
	_ =	sdelay $0x2  }
0xdd: {  	s31 =	sshll.u32 s1, $0xD;
	s1 =	sshrl.u32 s1, $0x2  }
0xde: {  	s3 =	sand.u32 $0x4000, s31;
	s1 =	sadd.s32 s1, s30  }
0xdf: {  	s0 =	sor.u32 s3, s0;
	s1 =	sshll.u32 s1, $0x11  }
0xe0: {  	s0 =	sor.u32 s1, s0  }
0xe1: {  	s0 =	sadd.s32 $0x8F2B, s0  }
0xe2: {  	[sflag:s0] =	ssyncadd.remote.s32 $0x1  }
0xe3: {  	_ =	sfence.sel $0xFFFF  }
0xe4: {  	[dreg:$0x0] =	wrdreg $0xFFFFFFFF;
	(pc) =	sbr.abs _section_cstart, $3  }
0xe5: {  	[dreg:$0x1] =	wrdreg $0xFFFFFFFF  }
0xe6: {  	_ =	task.clear_ibuf [dreg:s16], $0x2FFFF;
	_ =	strace $0x9FFFFFFF  }
0xe7: {  	(tm) =	ssettm $0x7FFFFFFF  }
tec
_tile_task_arg_handler_lowered:
.L_overlay_start_1:
0x0: {  	(tag) =	ssettag $0x1  }
0x1: {  	s0 =	rddreg [dreg:$0x0]  }
0x2: {  	s1 =	rddreg [dreg:$0x1]  }
0x3: {  	s2 =	rddreg [dreg:$0x2]  }
0x4: {  	s3 =	rddreg [dreg:$0x3]  }
0x5: {  	s4 =	rddreg [dreg:$0x4]  }
0x6: {  	s5 =	rddreg [dreg:$0x5]  }
0x7: {  	s6 =	rddreg [dreg:$0x6]  }
0x8: {  	s7 =	rddreg [dreg:$0x7]  }
0x9: {  	s8 =	rddreg [dreg:$0x8]  }
0xa: {  	s9 =	rddreg [dreg:$0x9]  }
0xb: {  	s10 =	rddreg [dreg:$0xa]  }
0xc: {  	s11 =	rddreg [dreg:$0xb]  }
0xd: {  	s12 =	rddreg [dreg:$0xc]  }
0xe: {  	s13 =	rddreg [dreg:$0xd]  }
0xf: {  	[smem:s0] =	sst s1  }
0x10: {  	[smem:s0+$0x1] =	sst s2  }
0x11: {  	[smem:s0+$0x2] =	sst s3  }
0x12: {  	[smem:s0+$0x3] =	sst s4  }
0x13: {  	[smem:s0+$0x4] =	sst s5  }
0x14: {  	[smem:s0+$0x5] =	sst s6  }
0x15: {  	[smem:s0+$0x6] =	sst s7  }
0x16: {  	[smem:s0+$0x7] =	sst s8  }
0x17: {  	[smem:s0+$0x8] =	sst s9  }
0x18: {  	[smem:s0+$0x9] =	sst s10  }
0x19: {  	[smem:s0+$0xA] =	sst s11  }
0x1a: {  	[smem:s0+$0xB] =	sst s12  }
0x1b: {  	[smem:s0+$0xC] =	sst s13;
	_ =	shalt  }
.Lfunc_end2:
execute0_lowered:
.L_overlay_start_2:
0x1c: {  	(tag) =	ssettag $0x2  }
0x1d: {  	s0 =	rddreg [dreg:$0x0]  }
0x1e: {  	s18 =	rddreg [dreg:$0x1]  }
0x1f: {  	s19 =	rddreg [dreg:$0x2]  }
0x20: {  	s20 =	rddreg [dreg:$0x3]  }
0x21: {  	s21 =	rddreg [dreg:$0x4]  }
0x22: {  	s22 =	rddreg [dreg:$0x5]  }
0x23: {  	s23 =	rddreg [dreg:$0x6]  }
0x24: {  	s3 =	rddreg [dreg:$0x7]  }
0x25: {  	s4 =	rddreg [dreg:$0x8]  }
0x26: {  	s6 =	rddreg [dreg:$0x9]  }
0x27: {  	s8 =	rddreg [dreg:$0xa]  }
0x28: {  	s10 =	rddreg [dreg:$0xb]  }
0x29: {  	s12 =	rddreg [dreg:$0xc]  }
0x2a: {  	s14 =	rddreg [dreg:$0xd]  }
0x2b: {  	[dreg:$0xe] =	wrdreg s0  }
0x2c: {  	[dreg:$0xf] =	wrdreg s18  }
0x2d: {  	[dreg:$0x10] =	wrdreg s19  }
0x2e: {  	[dreg:$0x11] =	wrdreg s20  }
0x2f: {  	[dreg:$0x12] =	wrdreg s21  }
0x30: {  	s1 =	simm.s32 $0x0;
	[dreg:$0x13] =	wrdreg s22  }
0x31: {  	s24 =	srdreg.scid;
	[smem:$0x7FF] =	sst s1  }
0x32: {  	s2 =	stileid.u32;
	s0 =	sand.u32 $0x1, s24;
	s25 =	sld [smem:$0x2]  }
0x33: {  	[dreg:$0x14] =	wrdreg s23;
	s2 =	sshll.u32 s2, $0x8;
	s5 =	sshll.u32 s0, $0x7  }
0x34: {  	s20 =	sld [smem:$0x0];
	s21 =	sor.u32 s5, s2  }
0x35: {  	s15 =	sshrl.u32 s21, $0x3;
	[dreg:$0x15] =	wrdreg s25  }
0x36: {  	s23 =	sld [smem:$0x1];
	s3 =	sadd.s32 s3, s15;
	_ =	strace $0x80000047  }
0x37: {  	[tilespmem:s1], [sflag:$0x5] =	stream.linear.gather [hbm4b:s3+s1], $0x80, $0x38;
	[tilespmem:$0x8400] =	vst v63  }
0x38: {  	s5 =	simm.s32 $0x80;
	s4 =	sadd.s32 s4, s15  }
0x39: {  	[tilespmem:s5], [sflag:$0x5] =	stream.linear.gather [hbm4b:s4+s1], $0x80, $0x38;
	[tilespmem:$0x8400] =	vst v63  }
0x3a: {  	s7 =	simm.s32 $0x100;
	s6 =	sadd.s32 s6, s15  }
0x3b: {  	[tilespmem:s7], [sflag:$0x5] =	stream.linear.gather [hbm4b:s6+s1], $0x80, $0x38;
	[tilespmem:$0x8400] =	vst v63  }
0x3c: {  	s9 =	simm.s32 $0x180;
	s8 =	sadd.s32 s8, s15  }
0x3d: {  	[tilespmem:s9], [sflag:$0x5] =	stream.linear.gather [hbm4b:s8+s1], $0x80, $0x38;
	[tilespmem:$0x8400] =	vst v63  }
0x3e: {  	s11 =	simm.s32 $0x200;
	s10 =	sadd.s32 s10, s15  }
0x3f: {  	[tilespmem:s11], [sflag:$0x5] =	stream.linear.gather [hbm4b:s10+s1], $0x80, $0x38;
	[tilespmem:$0x8400] =	vst v63  }
0x40: {  	s13 =	simm.s32 $0x280;
	s12 =	sadd.s32 s12, s15  }
0x41: {  	[tilespmem:s13], [sflag:$0x5] =	stream.linear.gather [hbm4b:s12+s1], $0x80, $0x38;
	[tilespmem:$0x8400] =	vst v63  }
0x42: {  	s16 =	simm.s32 $0x5;
	s14 =	sadd.s32 s14, s15;
	s15 =	simm.s32 $0x300  }
0x43: {  	[tilespmem:s15], [sflag:$0x5] =	stream.linear.gather [hbm4b:s14+s1], $0x80, $0x38;
	[tilespmem:$0x8400] =	vst v63  }
0x44: {  	_ =	swait.ge [sflag:s16], $0x80  }
0x45: {  	[sflag:s16] =	ssyncset.done $0x0  }
0x46: {  	s17 =	simm.s32 $0x400;
	s18 =	rddreg [dreg:$0xe];
	[sflag:s16] =	ssyncadd.s32 $0xFFFFFF80  }
0x47: {  	[tilespmem:s17], [sflag:$0x1] =	stream.indirect.gather [hbm4b:s18+s5], $0x80, s1, s5, $0xb8;
	[tilespmem:$0x8400] =	vst v63  }
0x48: {  	_ =	swait.ge [sflag:s16], $0x80  }
0x49: {  	s19 =	simm.s32 $0x1;
	[sflag:s16] =	ssyncset.done $0x0  }
0x4a: {  	s18 =	simm.s32 $0x4400;
	s22 =	rddreg [dreg:$0xf];
	[sflag:s16] =	ssyncadd.s32 $0xFFFFFF80  }
0x4b: {  	[tilespmem:s18], [sflag:$0x2] =	stream.indirect.gather [hbm4b:s22+s5], $0x80, s5, s5, $0xb8;
	[tilespmem:$0x8400] =	vst v63  }
0x4c: {  	_ =	swait.ge [sflag:s19], $0x4000  }
0x4d: {  	s24 =	sshll.u32 s21, $0x4;
	[sflag:s19] =	ssyncset.done $0x0  }
0x4e: {  	s20 =	sadd.s32 s20, s24;
	[sflag:s19] =	ssyncadd.s32 $0xFFFFC000  }
0x4f: {  	[hbm4b:s20+s1] =	stream.linear.scatter [tilespmem:s17], [sflag:$0x3], $0x4000, $0x38;
	[tilespmem:$0x8400] =	vst v63  }
0x50: {  	_ =	swait.ge [sflag:s16], $0x80  }
0x51: {  	[sflag:s16] =	ssyncset.done $0x0  }
0x52: {  	s21 =	simm.s32 $0x3;
	[sflag:s16] =	ssyncadd.s32 $0xFFFFFF80  }
0x53: {  	_ =	swait.ge [sflag:s21], $0x4000  }
0x54: {  	[sflag:s21] =	ssyncset.done $0x0  }
0x55: {  	s22 =	simm.s32 $0x2;
	s26 =	rddreg [dreg:$0x10];
	[sflag:s21] =	ssyncadd.s32 $0xFFFFC000  }
0x56: {  	[tilespmem:s17], [sflag:$0x1] =	stream.indirect.gather [hbm4b:s26+s5], $0x80, s7, s5, $0xb8;
	[tilespmem:$0x8400] =	vst v63  }
0x57: {  	_ =	swait.ge [sflag:s22], $0x4000  }
0x58: {  	s30 =	sadd.s32 s24, s23;
	[sflag:s22] =	ssyncset.done $0x0  }
0x59: {  	s23 =	sadd.s32 $0x3000, s30;
	[sflag:s22] =	ssyncadd.s32 $0xFFFFC000  }
0x5a: {  	[hbm4b:s23+s1] =	stream.linear.scatter [tilespmem:s18], [sflag:$0x4], $0x4000, $0x38;
	[tilespmem:$0x8400] =	vst v63  }
0x5b: {  	_ =	swait.ge [sflag:s16], $0x80  }
0x5c: {  	[sflag:s16] =	ssyncset.done $0x0  }
0x5d: {  	s24 =	simm.s32 $0x4;
	[sflag:s16] =	ssyncadd.s32 $0xFFFFFF80  }
0x5e: {  	_ =	swait.ge [sflag:s24], $0x4000  }
0x5f: {  	[sflag:s24] =	ssyncset.done $0x0  }
0x60: {  	s25 =	rddreg [dreg:$0x11];
	[sflag:s24] =	ssyncadd.s32 $0xFFFFC000  }
0x61: {  	[tilespmem:s18], [sflag:$0x2] =	stream.indirect.gather [hbm4b:s25+s5], $0x80, s9, s5, $0xb8;
	[tilespmem:$0x8400] =	vst v63  }
0x62: {  	_ =	swait.ge [sflag:s19], $0x4000  }
0x63: {  	[sflag:s19] =	ssyncset.done $0x0  }
0x64: {  	s25 =	sadd.s32 $0x13000, s30;
	[sflag:s19] =	ssyncadd.s32 $0xFFFFC000  }
0x65: {  	[hbm4b:s25+s1] =	stream.linear.scatter [tilespmem:s17], [sflag:$0x3], $0x4000, $0x38;
	[tilespmem:$0x8400] =	vst v63  }
0x66: {  	_ =	swait.ge [sflag:s16], $0x80  }
0x67: {  	[sflag:s16] =	ssyncset.done $0x0  }
0x68: {  	[sflag:s16] =	ssyncadd.s32 $0xFFFFFF80  }
0x69: {  	_ =	swait.ge [sflag:s21], $0x4000  }
0x6a: {  	[sflag:s21] =	ssyncset.done $0x0  }
0x6b: {  	s26 =	rddreg [dreg:$0x12];
	[sflag:s21] =	ssyncadd.s32 $0xFFFFC000  }
0x6c: {  	[tilespmem:s17], [sflag:$0x1] =	stream.indirect.gather [hbm4b:s26+s5], $0x80, s11, s5, $0xb8;
	[tilespmem:$0x8400] =	vst v63  }
0x6d: {  	_ =	swait.ge [sflag:s22], $0x4000  }
0x6e: {  	[sflag:s22] =	ssyncset.done $0x0  }
0x6f: {  	s26 =	sadd.s32 $0x23000, s30;
	[sflag:s22] =	ssyncadd.s32 $0xFFFFC000  }
0x70: {  	[hbm4b:s26+s1] =	stream.linear.scatter [tilespmem:s18], [sflag:$0x4], $0x4000, $0x38;
	[tilespmem:$0x8400] =	vst v63  }
0x71: {  	_ =	swait.ge [sflag:s16], $0x80  }
0x72: {  	[sflag:s16] =	ssyncset.done $0x0  }
0x73: {  	[sflag:s16] =	ssyncadd.s32 $0xFFFFFF80  }
0x74: {  	_ =	swait.ge [sflag:s24], $0x4000  }
0x75: {  	[sflag:s24] =	ssyncset.done $0x0  }
0x76: {  	s28 =	rddreg [dreg:$0x13];
	[sflag:s24] =	ssyncadd.s32 $0xFFFFC000  }
0x77: {  	[tilespmem:s18], [sflag:$0x2] =	stream.indirect.gather [hbm4b:s28+s5], $0x80, s13, s5, $0xb8;
	[tilespmem:$0x8400] =	vst v63  }
0x78: {  	_ =	swait.ge [sflag:s19], $0x4000  }
0x79: {  	[sflag:s19] =	ssyncset.done $0x0  }
0x7a: {  	s28 =	sadd.s32 $0x33000, s30;
	[sflag:s19] =	ssyncadd.s32 $0xFFFFC000  }
0x7b: {  	[hbm4b:s28+s1] =	stream.linear.scatter [tilespmem:s17], [sflag:$0x3], $0x4000, $0x38;
	[tilespmem:$0x8400] =	vst v63  }
0x7c: {  	_ =	swait.ge [sflag:s16], $0x80  }
0x7d: {  	[sflag:s16] =	ssyncset.done $0x0  }
0x7e: {  	[sflag:s16] =	ssyncadd.s32 $0xFFFFFF80  }
0x7f: {  	_ =	swait.ge [sflag:s21], $0x4000  }
0x80: {  	[sflag:s21] =	ssyncset.done $0x0  }
0x81: {  	s29 =	rddreg [dreg:$0x14];
	[sflag:s21] =	ssyncadd.s32 $0xFFFFC000  }
0x82: {  	[tilespmem:s17], [sflag:$0x1] =	stream.indirect.gather [hbm4b:s29+s5], $0x80, s15, s5, $0xb8;
	[tilespmem:$0x8400] =	vst v63  }
0x83: {  	_ =	swait.ge [sflag:s22], $0x4000  }
0x84: {  	[sflag:s22] =	ssyncset.done $0x0  }
0x85: {  	s0 =	ssub.s32 $0x2, s0;
	s29 =	sadd.s32 $0x43000, s30;
	[sflag:s22] =	ssyncadd.s32 $0xFFFFC000  }
0x86: {  	[hbm4b:s29+s1] =	stream.linear.scatter [tilespmem:s18], [sflag:$0x4], $0x4000, $0x38;
	[tilespmem:$0x8400] =	vst v63  }
0x87: {  	s31 =	sshrl.u32 s0, $0x1;
	_ =	swait.ge [sflag:s19], $0x4000  }
0x88: {  	s0 =	ssub.s32 s0, s31;
	[sflag:s19] =	ssyncset.done $0x0  }
0x89: {  	s0 =	smax.u32 s0, $0x1;
	[sflag:s19] =	ssyncadd.s32 $0xFFFFC000  }
0x8a: {  	p0 =	sne.s32 s0, $0x1;
	_ =	swait.ge [sflag:s24], $0x4000  }
.Ltmp0:
0x8b: {  	[sflag:s24] =	ssyncset.done $0x0;
	(pc) =	sbr.rel @!p0 .LBB3_2-.Ltmp0, $4  }
0x8c: {  	s31 =	simm.s32 $0x6;
	s30 =	sadd.s32 $0x53000, s30;
	[sflag:s24] =	ssyncadd.s32 $0xFFFFC000  }
0x8d: {  	[hbm4b:s30+s1] =	stream.linear.scatter [tilespmem:s17], [sflag:$0x6], $0x4000, $0x38;
	[tilespmem:$0x8400] =	vst v63  }
0x8e: {  	_ =	swait.ge [sflag:s31], $0x4000  }
0x8f: {  	s0 =	sadd.s32 $0xFFFFFFFF, s0;
	[sflag:s31] =	ssyncset.done $0x0  }
.LBB3_1:
0x90: {  	[sflag:s31] =	ssyncadd.s32 $0xFFFFC000  }
0x91: {  	[tilespmem:s1], [sflag:$0x5] =	stream.linear.gather [hbm4b:s3+s1], $0x80, $0x38;
	[tilespmem:$0x8400] =	vst v63  }
0x92: {  	_ = 	snop  }
0x93: {  	[tilespmem:s5], [sflag:$0x5] =	stream.linear.gather [hbm4b:s4+s1], $0x80, $0x38;
	[tilespmem:$0x8400] =	vst v63  }
0x94: {  	_ = 	snop  }
0x95: {  	[tilespmem:s7], [sflag:$0x5] =	stream.linear.gather [hbm4b:s6+s1], $0x80, $0x38;
	[tilespmem:$0x8400] =	vst v63  }
0x96: {  	_ = 	snop  }
0x97: {  	[tilespmem:s9], [sflag:$0x5] =	stream.linear.gather [hbm4b:s8+s1], $0x80, $0x38;
	[tilespmem:$0x8400] =	vst v63  }
0x98: {  	_ = 	snop  }
0x99: {  	[tilespmem:s11], [sflag:$0x5] =	stream.linear.gather [hbm4b:s10+s1], $0x80, $0x38;
	[tilespmem:$0x8400] =	vst v63  }
0x9a: {  	_ = 	snop  }
0x9b: {  	[tilespmem:s13], [sflag:$0x5] =	stream.linear.gather [hbm4b:s12+s1], $0x80, $0x38;
	[tilespmem:$0x8400] =	vst v63  }
0x9c: {  	_ = 	snop  }
0x9d: {  	[tilespmem:s15], [sflag:$0x5] =	stream.linear.gather [hbm4b:s14+s1], $0x80, $0x38;
	[tilespmem:$0x8400] =	vst v63  }
0x9e: {  	_ =	swait.ge [sflag:s16], $0x80  }
0x9f: {  	[sflag:s16] =	ssyncset.done $0x0  }
0xa0: {  	s2 =	rddreg [dreg:$0xe];
	[sflag:s16] =	ssyncadd.s32 $0xFFFFFF80  }
0xa1: {  	[tilespmem:s17], [sflag:$0x1] =	stream.indirect.gather [hbm4b:s2+s5], $0x80, s1, s5, $0xb8;
	[tilespmem:$0x8400] =	vst v63  }
0xa2: {  	_ =	swait.ge [sflag:s16], $0x80  }
0xa3: {  	[sflag:s16] =	ssyncset.done $0x0  }
0xa4: {  	s2 =	rddreg [dreg:$0xf];
	[sflag:s16] =	ssyncadd.s32 $0xFFFFFF80  }
0xa5: {  	[tilespmem:s18], [sflag:$0x2] =	stream.indirect.gather [hbm4b:s2+s5], $0x80, s5, s5, $0xb8;
	[tilespmem:$0x8400] =	vst v63  }
0xa6: {  	_ =	swait.ge [sflag:s19], $0x4000  }
0xa7: {  	[sflag:s19] =	ssyncset.done $0x0  }
0xa8: {  	[sflag:s19] =	ssyncadd.s32 $0xFFFFC000  }
0xa9: {  	[hbm4b:s20+s1] =	stream.linear.scatter [tilespmem:s17], [sflag:$0x3], $0x4000, $0x38;
	[tilespmem:$0x8400] =	vst v63  }
0xaa: {  	_ =	swait.ge [sflag:s16], $0x80  }
0xab: {  	[sflag:s16] =	ssyncset.done $0x0  }
0xac: {  	[sflag:s16] =	ssyncadd.s32 $0xFFFFFF80  }
0xad: {  	_ =	swait.ge [sflag:s21], $0x4000  }
0xae: {  	[sflag:s21] =	ssyncset.done $0x0  }
0xaf: {  	s2 =	rddreg [dreg:$0x10];
	[sflag:s21] =	ssyncadd.s32 $0xFFFFC000  }
0xb0: {  	[tilespmem:s17], [sflag:$0x1] =	stream.indirect.gather [hbm4b:s2+s5], $0x80, s7, s5, $0xb8;
	[tilespmem:$0x8400] =	vst v63  }
0xb1: {  	_ =	swait.ge [sflag:s22], $0x4000  }
0xb2: {  	[sflag:s22] =	ssyncset.done $0x0  }
0xb3: {  	[sflag:s22] =	ssyncadd.s32 $0xFFFFC000  }
0xb4: {  	[hbm4b:s23+s1] =	stream.linear.scatter [tilespmem:s18], [sflag:$0x4], $0x4000, $0x38;
	[tilespmem:$0x8400] =	vst v63  }
0xb5: {  	_ =	swait.ge [sflag:s16], $0x80  }
0xb6: {  	[sflag:s16] =	ssyncset.done $0x0  }
0xb7: {  	[sflag:s16] =	ssyncadd.s32 $0xFFFFFF80  }
0xb8: {  	_ =	swait.ge [sflag:s24], $0x4000  }
0xb9: {  	[sflag:s24] =	ssyncset.done $0x0  }
0xba: {  	s2 =	rddreg [dreg:$0x11];
	[sflag:s24] =	ssyncadd.s32 $0xFFFFC000  }
0xbb: {  	[tilespmem:s18], [sflag:$0x2] =	stream.indirect.gather [hbm4b:s2+s5], $0x80, s9, s5, $0xb8;
	[tilespmem:$0x8400] =	vst v63  }
0xbc: {  	_ =	swait.ge [sflag:s19], $0x4000  }
0xbd: {  	[sflag:s19] =	ssyncset.done $0x0  }
0xbe: {  	[sflag:s19] =	ssyncadd.s32 $0xFFFFC000  }
0xbf: {  	[hbm4b:s25+s1] =	stream.linear.scatter [tilespmem:s17], [sflag:$0x3], $0x4000, $0x38;
	[tilespmem:$0x8400] =	vst v63  }
0xc0: {  	_ =	swait.ge [sflag:s16], $0x80  }
0xc1: {  	[sflag:s16] =	ssyncset.done $0x0  }
0xc2: {  	[sflag:s16] =	ssyncadd.s32 $0xFFFFFF80  }
0xc3: {  	_ =	swait.ge [sflag:s21], $0x4000  }
0xc4: {  	[sflag:s21] =	ssyncset.done $0x0  }
0xc5: {  	s2 =	rddreg [dreg:$0x12];
	[sflag:s21] =	ssyncadd.s32 $0xFFFFC000  }
0xc6: {  	[tilespmem:s17], [sflag:$0x1] =	stream.indirect.gather [hbm4b:s2+s5], $0x80, s11, s5, $0xb8;
	[tilespmem:$0x8400] =	vst v63  }
0xc7: {  	_ =	swait.ge [sflag:s22], $0x4000  }
0xc8: {  	[sflag:s22] =	ssyncset.done $0x0  }
0xc9: {  	[sflag:s22] =	ssyncadd.s32 $0xFFFFC000  }
0xca: {  	[hbm4b:s26+s1] =	stream.linear.scatter [tilespmem:s18], [sflag:$0x4], $0x4000, $0x38;
	[tilespmem:$0x8400] =	vst v63  }
0xcb: {  	_ =	swait.ge [sflag:s16], $0x80  }
0xcc: {  	[sflag:s16] =	ssyncset.done $0x0  }
0xcd: {  	[sflag:s16] =	ssyncadd.s32 $0xFFFFFF80  }
0xce: {  	_ =	swait.ge [sflag:s24], $0x4000  }
0xcf: {  	[sflag:s24] =	ssyncset.done $0x0  }
0xd0: {  	s2 =	rddreg [dreg:$0x13];
	[sflag:s24] =	ssyncadd.s32 $0xFFFFC000  }
0xd1: {  	[tilespmem:s18], [sflag:$0x2] =	stream.indirect.gather [hbm4b:s2+s5], $0x80, s13, s5, $0xb8;
	[tilespmem:$0x8400] =	vst v63  }
0xd2: {  	_ =	swait.ge [sflag:s19], $0x4000  }
0xd3: {  	[sflag:s19] =	ssyncset.done $0x0  }
0xd4: {  	[sflag:s19] =	ssyncadd.s32 $0xFFFFC000  }
0xd5: {  	[hbm4b:s28+s1] =	stream.linear.scatter [tilespmem:s17], [sflag:$0x3], $0x4000, $0x38;
	[tilespmem:$0x8400] =	vst v63  }
0xd6: {  	_ =	swait.ge [sflag:s16], $0x80  }
0xd7: {  	[sflag:s16] =	ssyncset.done $0x0  }
0xd8: {  	[sflag:s16] =	ssyncadd.s32 $0xFFFFFF80  }
0xd9: {  	_ =	swait.ge [sflag:s21], $0x4000  }
0xda: {  	[sflag:s21] =	ssyncset.done $0x0  }
0xdb: {  	s2 =	rddreg [dreg:$0x14];
	[sflag:s21] =	ssyncadd.s32 $0xFFFFC000  }
0xdc: {  	[tilespmem:s17], [sflag:$0x1] =	stream.indirect.gather [hbm4b:s2+s5], $0x80, s15, s5, $0xb8;
	[tilespmem:$0x8400] =	vst v63  }
0xdd: {  	_ =	swait.ge [sflag:s22], $0x4000  }
0xde: {  	[sflag:s22] =	ssyncset.done $0x0  }
0xdf: {  	[sflag:s22] =	ssyncadd.s32 $0xFFFFC000  }
0xe0: {  	[hbm4b:s29+s1] =	stream.linear.scatter [tilespmem:s18], [sflag:$0x4], $0x4000, $0x38;
	[tilespmem:$0x8400] =	vst v63  }
0xe1: {  	_ =	swait.ge [sflag:s19], $0x4000  }
0xe2: {  	[sflag:s19] =	ssyncset.done $0x0  }
0xe3: {  	[sflag:s19] =	ssyncadd.s32 $0xFFFFC000  }
0xe4: {  	p0 =	sne.s32 s0, $0x1;
	_ =	swait.ge [sflag:s24], $0x4000  }
.Ltmp1:
0xe5: {  	[sflag:s24] =	ssyncset.done $0x0;
	(pc) =	sbr.rel @p0 .LBB3_1-.Ltmp1, $4  }
0xe6: {  	[sflag:s24] =	ssyncadd.s32 $0xFFFFC000  }
0xe7: {  	[hbm4b:s30+s1] =	stream.linear.scatter [tilespmem:s17], [sflag:$0x6], $0x4000, $0x38;
	[tilespmem:$0x8400] =	vst v63  }
0xe8: {  	_ =	swait.ge [sflag:s31], $0x4000  }
0xe9: {  	s0 =	sadd.s32 $0xFFFFFFFF, s0;
	[sflag:s31] =	ssyncset.done $0x0  }
.LBB3_2:
0xea: {  	[sflag:s31] =	ssyncadd.s32 $0xFFFFC000  }
0xeb: {  	_ =	sfence.sel $0x180000  }
0xec: {  	[bflag:$0x0] =	sbarrier.arrive $0xFFFF  }
0xed: {  	_ =	strace $0x90000047  }
0xee: {  	s0 =	stileid.u32;
	[bflag:$0x2] =	sbarrier.arrive $0xFFFF  }
0xef: {  	p0 =	sne.s32 s0, $0x0;
	s0 =	rddreg [dreg:$0x15]  }
0xf0: {  	s0 =	sadd.s32 @!p0 $0x100000, s0  }
0xf1: {  	[sflag:s0] =	ssyncadd.tile.s32 @!p0 $0x1;
	_ =	shalt  }
.Lfunc_end3:
_tile_overlayer_lowered:
.L_overlay_start_3:
0xf2: {  	(tag) =	ssettag $0x3  }
0xf3: {  	s0 =	rddreg [dreg:$0x0];
	s2 =	stileid.u32  }
0xf4: {  	s1 =	rddreg [dreg:$0x1];
	p0 =	sne.s32 s2, $0x0  }
0xf5: {  	s3 =	rddreg [dreg:$0x2];
	[bflag:$0x3] =	sbarrier.arrive $0xFFFF;
	s2 =	simm.s32 @!p0 $0x1C06  }
0xf6: {  	[timem:s3], [sflag:s2] =	dma.local @!p0 [hbm:s0], s1  }
0xf7: {  	s0 =	simm.s32 @!p0 $0x6  }
0xf8: {  	_ =	swait.ge @!p0 [sflag:s0], s1  }
0xf9: {  	s1 =	ssub.s32 @!p0 $0x0, s1;
	[sflag:s0] =	ssyncset.done @!p0 $0x0  }
0xfa: {  	[sflag:s0] =	ssyncadd.s32 @!p0 s1  }
0xfb: {  	[bflag:$0x3] =	sbarrier.arrive $0xFFFF  }
0xfc: {  	_ =	shalt  }

</sc_bundles>
